<compile_context>
chip_gen: v7x
topology: tpu7x:2x2x1
jax: 0.10.2.dev20260603
libtpu: 0.0.44.dev20260713+nightly
codegen_flags: <defaults>
</compile_context>

<pallas_src>
import functools

import jax
import jax.numpy as jnp
from jax import lax
from jax.experimental import pallas as pl
from jax.experimental.pallas import tpu as pltpu
from jax.experimental.pallas import tpu_sc as plsc

NC = 2
NS = 16
NW = NC * NS
LANES = 16
K = 80
G = 25



def _sc_agg_call(x, src3, dst3, with_deg):
    Npad, D = x.shape
    NG = src3.shape[1]
    rows_per_tile = Npad // NS
    mesh = plsc.VectorSubcoreMesh(core_axis_name="c", subcore_axis_name="s")

    out_type = [jax.ShapeDtypeStruct((NC, Npad, D), jnp.float32)]
    scratch = [
        pltpu.VMEM_SHARED((Npad, D), jnp.float32),
        pltpu.VMEM((G, K), jnp.int32),
        pltpu.VMEM((G, K), jnp.int32),
        pltpu.VMEM((K, D), jnp.float32),
        pltpu.SemaphoreType.DMA,
    ]
    if with_deg:
        out_type.append(jax.ShapeDtypeStruct((NC * Npad,), jnp.float32))
        scratch += [
            pltpu.VMEM_SHARED((Npad,), jnp.float32),
            pltpu.VMEM((K,), jnp.float32),
            pltpu.VMEM((rows_per_tile,), jnp.float32),
            pltpu.SemaphoreType.DMA,
        ]

    def body(x_hbm, src_hbm, dst_hbm, *refs):
        if with_deg:
            (out_hbm, dout_hbm, acc, src_l, dst_l, rows_a,
             sem_a, dacc, ones, dbuf, sem_d) = refs
        else:
            (out_hbm, acc, src_l, dst_l, rows_a, sem_a) = refs
        cid = lax.axis_index("c")
        sid = lax.axis_index("s")
        wid = cid * NS + sid
        base = sid * rows_per_tile

        def zfill(i, c):
            for j in range(D // LANES):
                rows_a[i, pl.ds(j * LANES, LANES)] = jnp.zeros((LANES,), jnp.float32)
            return c
        lax.fori_loop(0, K, zfill, 0)

        if with_deg:
            for j in range(K // LANES):
                ones[pl.ds(j * LANES, LANES)] = jnp.zeros((LANES,), jnp.float32)

        def zacc(i, c):
            pltpu.sync_copy(rows_a, acc.at[pl.ds(base + i * K, K)])
            if with_deg:
                pltpu.sync_copy(ones, dacc.at[pl.ds(base + i * K, K)])
            return c
        lax.fori_loop(0, rows_per_tile // K, zacc, 0)

        if with_deg:
            for j in range(K // LANES):
                ones[pl.ds(j * LANES, LANES)] = jnp.ones((LANES,), jnp.float32)

        plsc.subcore_barrier()

        def scat(buf, j):
            pltpu.sync_copy(buf, acc.at[dst_l.at[j]], add=True)
            if with_deg:
                pltpu.async_copy(ones, dacc.at[dst_l.at[j]], sem_d, add=True)

        def group(g, c):
            pltpu.sync_copy(src_hbm.at[wid, g], src_l)
            pltpu.sync_copy(dst_hbm.at[wid, g], dst_l)

            def step(j, c2):
                pltpu.async_copy(x_hbm.at[src_l.at[j]], rows_a, sem_a).wait()
                scat(rows_a, j)
                return c2
            lax.fori_loop(0, G, step, 0)

            if with_deg:
                def drain(j, c2):
                    pltpu.make_async_copy(
                        ones, dacc.at[dst_l.at[j]], sem_d).wait()
                    return c2
                lax.fori_loop(0, G, drain, 0)
            return c
        lax.fori_loop(0, NG, group, 0)

        plsc.subcore_barrier()

        def out_copy(j, c):
            r = base + j * K
            pltpu.sync_copy(acc.at[pl.ds(r, K)], out_hbm.at[cid, pl.ds(r, K)])
            return c
        lax.fori_loop(0, rows_per_tile // K, out_copy, 0)
        if with_deg:
            pltpu.sync_copy(dacc.at[pl.ds(base, rows_per_tile)], dbuf)
            pltpu.sync_copy(dbuf, dout_hbm.at[pl.ds(cid * Npad + base,
                                                    rows_per_tile)])

    f = pl.kernel(body, out_type=out_type, mesh=mesh, scratch_types=scratch)
    return f(x, src3, dst3)



def _deg_inv_col(d0, d1):
    deg = d0[:, 0:1] + d1[:, 0:1]
    return jnp.where(deg > 0.0, 1.0 / jnp.maximum(deg, 1.0), 0.0)


def _layer_body(x_ref, a0_ref, a1_ref, d0_ref, d1_ref, w_ref, b_ref, o_ref,
                *, relu):
    dinv = _deg_inv_col(d0_ref[...], d1_ref[...])
    h = x_ref[...] + (a0_ref[...] + a1_ref[...]) * dinv
    y = jnp.dot(h, w_ref[...], preferred_element_type=jnp.float32) + b_ref[...]
    o_ref[...] = jnp.maximum(y, 0.0) if relu else y


def _tc_layer(x, a0, a1, d0, d1, w, b, relu):
    Npad, D = x.shape
    H = w.shape[1]
    Nb = 512
    grid = Npad // Nb
    return pl.pallas_call(
        functools.partial(_layer_body, relu=relu),
        grid=(grid,),
        in_specs=[
            pl.BlockSpec((Nb, D), lambda i: (i, 0)),
            pl.BlockSpec((Nb, D), lambda i: (i, 0)),
            pl.BlockSpec((Nb, D), lambda i: (i, 0)),
            pl.BlockSpec((Nb, LANES), lambda i: (i, 0)),
            pl.BlockSpec((Nb, LANES), lambda i: (i, 0)),
            pl.BlockSpec((D, H), lambda i: (0, 0)),
            pl.BlockSpec((1, H), lambda i: (0, 0)),
        ],
        out_specs=pl.BlockSpec((Nb, H), lambda i: (i, 0)),
        out_shape=jax.ShapeDtypeStruct((Npad, H), jnp.float32),
    )(x, a0, a1, d0, d1, w, b)


def _final_body(x_ref, a0_ref, a1_ref, d0_ref, d1_ref, w_ref, b_ref,
                wc_ref, bc_ref, o_ref, m_ref, *, n_valid, nb, grid):
    i = pl.program_id(0)
    dinv = _deg_inv_col(d0_ref[...], d1_ref[...])
    h = x_ref[...] + (a0_ref[...] + a1_ref[...]) * dinv
    y = jnp.dot(h, w_ref[...], preferred_element_type=jnp.float32) + b_ref[...]
    rowid = i * nb + lax.broadcasted_iota(jnp.int32, y.shape, 0)
    y = jnp.where(rowid < n_valid, y, -1e30)
    bm = jnp.max(y, axis=0, keepdims=True)

    @pl.when(i == 0)
    def _():
        m_ref[0:1] = bm

    @pl.when(i > 0)
    def _():
        m_ref[0:1] = jnp.maximum(m_ref[0:1], bm)

    @pl.when(i == grid - 1)
    def _():
        hg = m_ref[0:1]
        o_ref[...] = (jnp.dot(hg, wc_ref[...], preferred_element_type=jnp.float32)
                      + bc_ref[...])


def _tc_final(x, a0, a1, d0, d1, w, b, wc, bc, n_valid):
    Npad, D = x.shape
    H = w.shape[1]
    C = wc.shape[1]
    Nb = 512
    grid = Npad // Nb
    return pl.pallas_call(
        functools.partial(_final_body, n_valid=n_valid, nb=Nb, grid=grid),
        grid=(grid,),
        in_specs=[
            pl.BlockSpec((Nb, D), lambda i: (i, 0)),
            pl.BlockSpec((Nb, D), lambda i: (i, 0)),
            pl.BlockSpec((Nb, D), lambda i: (i, 0)),
            pl.BlockSpec((Nb, LANES), lambda i: (i, 0)),
            pl.BlockSpec((Nb, LANES), lambda i: (i, 0)),
            pl.BlockSpec((D, H), lambda i: (0, 0)),
            pl.BlockSpec((1, H), lambda i: (0, 0)),
            pl.BlockSpec((H, C), lambda i: (0, 0)),
            pl.BlockSpec((1, C), lambda i: (0, 0)),
        ],
        out_specs=pl.BlockSpec((1, C), lambda i: (0, 0)),
        out_shape=jax.ShapeDtypeStruct((1, C), jnp.float32),
        scratch_shapes=[pltpu.VMEM((8, 128), jnp.float32)],
    )(x, a0, a1, d0, d1, w, b, wc, bc)



def kernel(in_feat, edge_index, W1, b1, W2, b2, Wc, bc):
    N, D = in_feat.shape
    E = edge_index.shape[1]

    Npad = ((N + 10239) // 10240) * 10240
    x = jnp.pad(in_feat, ((0, Npad - N), (0, 0)))

    Echunk = NW * K * G
    Epad = ((E + Echunk - 1) // Echunk) * Echunk
    src = edge_index[0]
    dst = edge_index[1]
    if Epad != E:
        fill = jnp.full((Epad - E,), N, dtype=jnp.int32)
        src = jnp.concatenate([src, fill])
        dst = jnp.concatenate([dst, fill])
    NG = Epad // (NW * G * K)
    src3 = src.reshape(NW, NG, G, K)
    dst3 = dst.reshape(NW, NG, G, K)

    b1r = b1.reshape(1, -1)
    b2r = b2.reshape(1, -1)
    bcr = bc.reshape(1, -1)

    agg1, degp = _sc_agg_call(x, src3, dst3, with_deg=True)
    degp = degp.reshape(NC, Npad)
    d0 = jnp.broadcast_to(degp[0][:, None], (Npad, LANES))
    d1 = jnp.broadcast_to(degp[1][:, None], (Npad, LANES))
    h1 = _tc_layer(x, agg1[0], agg1[1], d0, d1, W1, b1r, relu=True)

    (agg2,) = _sc_agg_call(h1, src3, dst3, with_deg=False)
    out = _tc_final(h1, agg2[0], agg2[1], d0, d1, W2, b2r, Wc, bcr, N)
    return out

# --- scband reference (transcript-rebuilt; emitter-appended) ---
"""Pipeline reference for scband-gin-46325517254818 (READ-ONLY COPY).

The authoritative reference and input builder live on the scoring server;
editing this copy changes nothing except your own understanding.
"""

import jax, jax.numpy as jnp
import numpy as np

N = 10000
E = 320000
D = 128
H = 128
C = 64


def setup_inputs(seed: int = 0) -> dict:
    key = jax.random.key(seed)
    ks = jax.random.split(key, 8)
    in_feat = jax.random.normal(ks[0], (N, D), dtype=jnp.float32)
    edge_index = jax.random.randint(ks[1], (2, E), 0, N, dtype=jnp.int32)
    W1 = jax.random.normal(ks[2], (D, H), dtype=jnp.float32) * (1.0 / np.sqrt(D))
    b1 = jnp.zeros((H,), dtype=jnp.float32)
    W2 = jax.random.normal(ks[3], (H, H), dtype=jnp.float32) * (1.0 / np.sqrt(H))
    b2 = jnp.zeros((H,), dtype=jnp.float32)
    Wc = jax.random.normal(ks[4], (H, C), dtype=jnp.float32) * (1.0 / np.sqrt(H))
    bc = jnp.zeros((C,), dtype=jnp.float32)
    return {"in_feat": in_feat, "edge_index": edge_index, "W1": W1, "b1": b1, "W2": W2, "b2": b2, "Wc": Wc, "bc": bc}


def _gin_conv(x, src, dst, deg_inv, W, b, num_nodes):
    # DGL GINConv with aggregator_type='mean', eps=0:
    # rst = apply_func((1 + eps) * x + mean_{j in N(i)} x_j)
    msg = jnp.take(x, src, axis=0)                      # gather on src
    agg = jax.ops.segment_sum(msg, dst, num_segments=num_nodes)  # scatter-add on dst
    agg = agg * deg_inv[:, None]                        # mean (0 for isolated nodes)
    h = x + agg                                         # (1 + eps) * x + agg, eps=0
    return h @ W + b


def reference(in_feat, edge_index, W1, b1, W2, b2, Wc, bc):
    num_nodes = in_feat.shape[0]
    src = edge_index[0]
    dst = edge_index[1]
    deg = jnp.zeros((num_nodes,), dtype=jnp.float32).at[dst].add(1.0)
    deg_inv = jnp.where(deg > 0, 1.0 / jnp.maximum(deg, 1.0), 0.0)

    h = _gin_conv(in_feat, src, dst, deg_inv, W1, b1, num_nodes)
    h = jax.nn.relu(h)
    h = _gin_conv(h, src, dst, deg_inv, W2, b2, num_nodes)
    # dgl.max_nodes over a single (non-batched) graph -> [1, H]
    hg = jnp.max(h, axis=0, keepdims=True)
    out = hg @ Wc + bc
    return out

if __name__ == "__main__":
    import jax
    _d = setup_inputs()
    print(jax.jit(kernel)(*tuple(_d.values())))

</pallas_src>

<mosaic_0001>
#map = affine_map<(d0, d1) -> (0, 0)>
#map1 = affine_map<(d0, d1) -> (0, 0, 0, 0)>
#map2 = affine_map<(d0, d1) -> (0, 0, 0)>
#map3 = affine_map<(d0, d1) -> (0)>
module attributes {stable_mosaic.version = 14 : i64} {
  func.func @body(%arg0: i32, %arg1: i32, %arg2: memref<10240x128xf32, #tpu.memory_space<hbm>>, %arg3: memref<32x5x25x80xi32, #tpu.memory_space<hbm>>, %arg4: memref<32x5x25x80xi32, #tpu.memory_space<hbm>>, %arg5: memref<2x10240x128xf32, #tpu.memory_space<hbm>>, %arg6: memref<20480xf32, #tpu.memory_space<hbm>>, %arg7: memref<10240x128xf32, #tpu.memory_space<vmem_shared>>, %arg8: memref<25x80xi32, #tpu.memory_space<vmem>>, %arg9: memref<25x80xi32, #tpu.memory_space<vmem>>, %arg10: memref<80x128xf32, #tpu.memory_space<vmem>>, %arg11: memref<!tpu.dma_semaphore, #tpu.memory_space<semaphore_mem>>, %arg12: memref<10240xf32, #tpu.memory_space<vmem_shared>>, %arg13: memref<80xf32, #tpu.memory_space<vmem>>, %arg14: memref<640xf32, #tpu.memory_space<vmem>>, %arg15: memref<!tpu.dma_semaphore, #tpu.memory_space<semaphore_mem>>) attributes {dimension_semantics = [#tpu.dimension_semantics<core_parallel>, #tpu.dimension_semantics<subcore_parallel>], iteration_bounds = array<i64: 2, 16>, scalar_prefetch = 0 : i64, scratch_operands = 9 : i64, tpu.core_type = #tpu.core_type<sc_vector_subcore>, window_params = [{transform_indices = #map}, {transform_indices = #map1}, {transform_indices = #map1}, {transform_indices = #map2}, {transform_indices = #map3}]} {
    %mul3A = arith.constant 16 : i32
    %mul3A_0 = arith.muli %arg0, %mul3A : i32
    %add3A = arith.addi %mul3A_0, %arg1 : i32
    %mul3A_1 = arith.constant 640 : i32
    %mul3A_2 = arith.muli %arg1, %mul3A_1 : i32
    %scan3A = arith.constant 0 : i32
    %scan3A_3 = arith.constant 0 : i32
    %scan3A_4 = arith.constant 80 : i32
    %scan3A_5 = arith.addi %scan3A_3, %scan3A_4 : i32
    %scan3A_6 = arith.constant 1 : i32
    scf.for %scan3A_88 = %scan3A_3 to %scan3A_5 step %scan3A_6  : i32 {
      %broadcast_in_dim3A_89 = arith.constant 0.000000e+00 : f32
      %broadcast_in_dim3A_90 = vector.broadcast %broadcast_in_dim3A_89 : f32 to vector<16xf32>
      %swap3A_91 = arith.index_cast %scan3A_88 : i32 to index
      %swap3A_92 = arith.constant 0 : index
      %swap3A_93 = tpu.vector_load %arg10[%swap3A_91, %swap3A_92] {strides = array<i32>} : memref<80x128xf32, #tpu.memory_space<vmem>>, vector<1x16xf32>,
      %swap3A_94 = vector.shape_cast %swap3A_93 : vector<1x16xf32> to vector<16xf32>
      %swap3A_95 = vector.shape_cast %broadcast_in_dim3A_90 : vector<16xf32> to vector<1x16xf32>
      tpu.vector_store %arg10[%swap3A_91, %swap3A_92], %swap3A_95 {strides = array<i32>} : memref<80x128xf32, #tpu.memory_space<vmem>>, vector<1x16xf32>,
      %broadcast_in_dim3A_96 = arith.constant 0.000000e+00 : f32
      %broadcast_in_dim3A_97 = vector.broadcast %broadcast_in_dim3A_96 : f32 to vector<16xf32>
      %swap3A_98 = arith.index_cast %scan3A_88 : i32 to index
      %swap3A_99 = arith.constant 16 : index
      %swap3A_100 = tpu.vector_load %arg10[%swap3A_98, %swap3A_99] {strides = array<i32>} : memref<80x128xf32, #tpu.memory_space<vmem>>, vector<1x16xf32>,
      %swap3A_101 = vector.shape_cast %swap3A_100 : vector<1x16xf32> to vector<16xf32>
      %swap3A_102 = vector.shape_cast %broadcast_in_dim3A_97 : vector<16xf32> to vector<1x16xf32>
      tpu.vector_store %arg10[%swap3A_98, %swap3A_99], %swap3A_102 {strides = array<i32>} : memref<80x128xf32, #tpu.memory_space<vmem>>, vector<1x16xf32>,
      %broadcast_in_dim3A_103 = arith.constant 0.000000e+00 : f32
      %broadcast_in_dim3A_104 = vector.broadcast %broadcast_in_dim3A_103 : f32 to vector<16xf32>
      %swap3A_105 = arith.index_cast %scan3A_88 : i32 to index
      %swap3A_106 = arith.constant 32 : index
      %swap3A_107 = tpu.vector_load %arg10[%swap3A_105, %swap3A_106] {strides = array<i32>} : memref<80x128xf32, #tpu.memory_space<vmem>>, vector<1x16xf32>,
      %swap3A_108 = vector.shape_cast %swap3A_107 : vector<1x16xf32> to vector<16xf32>
      %swap3A_109 = vector.shape_cast %broadcast_in_dim3A_104 : vector<16xf32> to vector<1x16xf32>
      tpu.vector_store %arg10[%swap3A_105, %swap3A_106], %swap3A_109 {strides = array<i32>} : memref<80x128xf32, #tpu.memory_space<vmem>>, vector<1x16xf32>,
      %broadcast_in_dim3A_110 = arith.constant 0.000000e+00 : f32
      %broadcast_in_dim3A_111 = vector.broadcast %broadcast_in_dim3A_110 : f32 to vector<16xf32>
      %swap3A_112 = arith.index_cast %scan3A_88 : i32 to index
      %swap3A_113 = arith.constant 48 : index
      %swap3A_114 = tpu.vector_load %arg10[%swap3A_112, %swap3A_113] {strides = array<i32>} : memref<80x128xf32, #tpu.memory_space<vmem>>, vector<1x16xf32>,
      %swap3A_115 = vector.shape_cast %swap3A_114 : vector<1x16xf32> to vector<16xf32>
      %swap3A_116 = vector.shape_cast %broadcast_in_dim3A_111 : vector<16xf32> to vector<1x16xf32>
      tpu.vector_store %arg10[%swap3A_112, %swap3A_113], %swap3A_116 {strides = array<i32>} : memref<80x128xf32, #tpu.memory_space<vmem>>, vector<1x16xf32>,
      %broadcast_in_dim3A_117 = arith.constant 0.000000e+00 : f32
      %broadcast_in_dim3A_118 = vector.broadcast %broadcast_in_dim3A_117 : f32 to vector<16xf32>
      %swap3A_119 = arith.index_cast %scan3A_88 : i32 to index
      %swap3A_120 = arith.constant 64 : index
      %swap3A_121 = tpu.vector_load %arg10[%swap3A_119, %swap3A_120] {strides = array<i32>} : memref<80x128xf32, #tpu.memory_space<vmem>>, vector<1x16xf32>,
      %swap3A_122 = vector.shape_cast %swap3A_121 : vector<1x16xf32> to vector<16xf32>
      %swap3A_123 = vector.shape_cast %broadcast_in_dim3A_118 : vector<16xf32> to vector<1x16xf32>
      tpu.vector_store %arg10[%swap3A_119, %swap3A_120], %swap3A_123 {strides = array<i32>} : memref<80x128xf32, #tpu.memory_space<vmem>>, vector<1x16xf32>,
      %broadcast_in_dim3A_124 = arith.constant 0.000000e+00 : f32
      %broadcast_in_dim3A_125 = vector.broadcast %broadcast_in_dim3A_124 : f32 to vector<16xf32>
      %swap3A_126 = arith.index_cast %scan3A_88 : i32 to index
      %swap3A_127 = arith.constant 80 : index
      %swap3A_128 = tpu.vector_load %arg10[%swap3A_126, %swap3A_127] {strides = array<i32>} : memref<80x128xf32, #tpu.memory_space<vmem>>, vector<1x16xf32>,
      %swap3A_129 = vector.shape_cast %swap3A_128 : vector<1x16xf32> to vector<16xf32>
      %swap3A_130 = vector.shape_cast %broadcast_in_dim3A_125 : vector<16xf32> to vector<1x16xf32>
      tpu.vector_store %arg10[%swap3A_126, %swap3A_127], %swap3A_130 {strides = array<i32>} : memref<80x128xf32, #tpu.memory_space<vmem>>, vector<1x16xf32>,
      %broadcast_in_dim3A_131 = arith.constant 0.000000e+00 : f32
      %broadcast_in_dim3A_132 = vector.broadcast %broadcast_in_dim3A_131 : f32 to vector<16xf32>
      %swap3A_133 = arith.index_cast %scan3A_88 : i32 to index
      %swap3A_134 = arith.constant 96 : index
      %swap3A_135 = tpu.vector_load %arg10[%swap3A_133, %swap3A_134] {strides = array<i32>} : memref<80x128xf32, #tpu.memory_space<vmem>>, vector<1x16xf32>,
      %swap3A_136 = vector.shape_cast %swap3A_135 : vector<1x16xf32> to vector<16xf32>
      %swap3A_137 = vector.shape_cast %broadcast_in_dim3A_132 : vector<16xf32> to vector<1x16xf32>
      tpu.vector_store %arg10[%swap3A_133, %swap3A_134], %swap3A_137 {strides = array<i32>} : memref<80x128xf32, #tpu.memory_space<vmem>>, vector<1x16xf32>,
      %broadcast_in_dim3A_138 = arith.constant 0.000000e+00 : f32
      %broadcast_in_dim3A_139 = vector.broadcast %broadcast_in_dim3A_138 : f32 to vector<16xf32>
      %swap3A_140 = arith.index_cast %scan3A_88 : i32 to index
      %swap3A_141 = arith.constant 112 : index
      %swap3A_142 = tpu.vector_load %arg10[%swap3A_140, %swap3A_141] {strides = array<i32>} : memref<80x128xf32, #tpu.memory_space<vmem>>, vector<1x16xf32>,
      %swap3A_143 = vector.shape_cast %swap3A_142 : vector<1x16xf32> to vector<16xf32>
      %swap3A_144 = vector.shape_cast %broadcast_in_dim3A_139 : vector<16xf32> to vector<1x16xf32>
      tpu.vector_store %arg10[%swap3A_140, %swap3A_141], %swap3A_144 {strides = array<i32>} : memref<80x128xf32, #tpu.memory_space<vmem>>, vector<1x16xf32>,
    }
    %scan3A_7 = arith.constant 80 : i32
    %broadcast_in_dim3A = arith.constant 0.000000e+00 : f32
    %broadcast_in_dim3A_8 = vector.broadcast %broadcast_in_dim3A : f32 to vector<16xf32>
    %swap3A = arith.constant 0 : index
    %swap3A_9 = tpu.vector_load %arg13[%swap3A] {strides = array<i32>} : memref<80xf32, #tpu.memory_space<vmem>>, vector<16xf32>,
    %swap3A_10 = vector.shape_cast %swap3A_9 : vector<16xf32> to vector<16xf32>
    %swap3A_11 = vector.shape_cast %broadcast_in_dim3A_8 : vector<16xf32> to vector<16xf32>
    tpu.vector_store %arg13[%swap3A], %swap3A_11 {strides = array<i32>} : memref<80xf32, #tpu.memory_space<vmem>>, vector<16xf32>,
    %broadcast_in_dim3A_12 = arith.constant 0.000000e+00 : f32
    %broadcast_in_dim3A_13 = vector.broadcast %broadcast_in_dim3A_12 : f32 to vector<16xf32>
    %swap3A_14 = arith.constant 16 : index
    %swap3A_15 = tpu.vector_load %arg13[%swap3A_14] {strides = array<i32>} : memref<80xf32, #tpu.memory_space<vmem>>, vector<16xf32>,
    %swap3A_16 = vector.shape_cast %swap3A_15 : vector<16xf32> to vector<16xf32>
    %swap3A_17 = vector.shape_cast %broadcast_in_dim3A_13 : vector<16xf32> to vector<16xf32>
    tpu.vector_store %arg13[%swap3A_14], %swap3A_17 {strides = array<i32>} : memref<80xf32, #tpu.memory_space<vmem>>, vector<16xf32>,
    %broadcast_in_dim3A_18 = arith.constant 0.000000e+00 : f32
    %broadcast_in_dim3A_19 = vector.broadcast %broadcast_in_dim3A_18 : f32 to vector<16xf32>
    %swap3A_20 = arith.constant 32 : index
    %swap3A_21 = tpu.vector_load %arg13[%swap3A_20] {strides = array<i32>} : memref<80xf32, #tpu.memory_space<vmem>>, vector<16xf32>,
    %swap3A_22 = vector.shape_cast %swap3A_21 : vector<16xf32> to vector<16xf32>
    %swap3A_23 = vector.shape_cast %broadcast_in_dim3A_19 : vector<16xf32> to vector<16xf32>
    tpu.vector_store %arg13[%swap3A_20], %swap3A_23 {strides = array<i32>} : memref<80xf32, #tpu.memory_space<vmem>>, vector<16xf32>,
    %broadcast_in_dim3A_24 = arith.constant 0.000000e+00 : f32
    %broadcast_in_dim3A_25 = vector.broadcast %broadcast_in_dim3A_24 : f32 to vector<16xf32>
    %swap3A_26 = arith.constant 48 : index
    %swap3A_27 = tpu.vector_load %arg13[%swap3A_26] {strides = array<i32>} : memref<80xf32, #tpu.memory_space<vmem>>, vector<16xf32>,
    %swap3A_28 = vector.shape_cast %swap3A_27 : vector<16xf32> to vector<16xf32>
    %swap3A_29 = vector.shape_cast %broadcast_in_dim3A_25 : vector<16xf32> to vector<16xf32>
    tpu.vector_store %arg13[%swap3A_26], %swap3A_29 {strides = array<i32>} : memref<80xf32, #tpu.memory_space<vmem>>, vector<16xf32>,
    %broadcast_in_dim3A_30 = arith.constant 0.000000e+00 : f32
    %broadcast_in_dim3A_31 = vector.broadcast %broadcast_in_dim3A_30 : f32 to vector<16xf32>
    %swap3A_32 = arith.constant 64 : index
    %swap3A_33 = tpu.vector_load %arg13[%swap3A_32] {strides = array<i32>} : memref<80xf32, #tpu.memory_space<vmem>>, vector<16xf32>,
    %swap3A_34 = vector.shape_cast %swap3A_33 : vector<16xf32> to vector<16xf32>
    %swap3A_35 = vector.shape_cast %broadcast_in_dim3A_31 : vector<16xf32> to vector<16xf32>
    tpu.vector_store %arg13[%swap3A_32], %swap3A_35 {strides = array<i32>} : memref<80xf32, #tpu.memory_space<vmem>>, vector<16xf32>,
    %scan3A_36 = arith.constant 0 : i32
    %scan3A_37 = arith.constant 0 : i32
    %scan3A_38 = arith.constant 8 : i32
    %scan3A_39 = arith.addi %scan3A_37, %scan3A_38 : i32
    %scan3A_40 = arith.constant 1 : i32
    scf.for %scan3A_88 = %scan3A_37 to %scan3A_39 step %scan3A_40  : i32 {
      %mul3A_89 = arith.constant 80 : i32
      %mul3A_90 = arith.muli %scan3A_88, %mul3A_89 : i32
      %add3A_91 = arith.addi %mul3A_2, %mul3A_90 : i32
      "tpu.region"() ({
        %run_scoped3A = tpu.sem_alloc : memref<!tpu.dma_semaphore, #tpu.memory_space<semaphore_mem>>
        %dma_start3A = arith.constant 0 : i32
        %dma_start3A_95 = tpu.memref_slice %arg7[%add3A_91, %dma_start3A] : memref<10240x128xf32, #tpu.memory_space<vmem_shared>> -> memref<80x128xf32, #tpu.memory_space<vmem_shared>>
        %dma_start3A_96 = arith.constant 0 : i32
        %dma_start3A_97 = tpu.memref_slice %arg7[%add3A_91, %dma_start3A_96] : memref<10240x128xf32, #tpu.memory_space<vmem_shared>> -> memref<80x128xf32, #tpu.memory_space<vmem_shared>>
        tpu.enqueue_dma source(%arg10 : memref<80x128xf32, #tpu.memory_space<vmem>>) target(%dma_start3A_97 : memref<80x128xf32, #tpu.memory_space<vmem_shared>>) target_semaphore(%run_scoped3A : memref<!tpu.dma_semaphore, #tpu.memory_space<semaphore_mem>>)
        %dma_wait3A = arith.constant 0 : i32
        %dma_wait3A_98 = tpu.memref_slice %arg7[%add3A_91, %dma_wait3A] : memref<10240x128xf32, #tpu.memory_space<vmem_shared>> -> memref<80x128xf32, #tpu.memory_space<vmem_shared>>
        %dma_wait3A_99 = arith.constant 0 : i32
        %dma_wait3A_100 = tpu.memref_slice %arg7[%add3A_91, %dma_wait3A_99] : memref<10240x128xf32, #tpu.memory_space<vmem_shared>> -> memref<80x128xf32, #tpu.memory_space<vmem_shared>>
        tpu.wait_dma2 semaphore(%run_scoped3A : memref<!tpu.dma_semaphore, #tpu.memory_space<semaphore_mem>>) src(%arg10 : memref<80x128xf32, #tpu.memory_space<vmem>>) dst(%dma_wait3A_100 : memref<80x128xf32, #tpu.memory_space<vmem_shared>>)
        tpu.yield
      }) : () -> ()
      %mul3A_92 = arith.constant 80 : i32
      %mul3A_93 = arith.muli %scan3A_88, %mul3A_92 : i32
      %add3A_94 = arith.addi %mul3A_2, %mul3A_93 : i32
      "tpu.region"() ({
        %run_scoped3A = tpu.sem_alloc : memref<!tpu.dma_semaphore, #tpu.memory_space<semaphore_mem>>
        %dma_start3A = tpu.memref_slice %arg12[%add3A_94] : memref<10240xf32, #tpu.memory_space<vmem_shared>> -> memref<80xf32, #tpu.memory_space<vmem_shared>>
        %dma_start3A_95 = tpu.memref_slice %arg12[%add3A_94] : memref<10240xf32, #tpu.memory_space<vmem_shared>> -> memref<80xf32, #tpu.memory_space<vmem_shared>>
        tpu.enqueue_dma source(%arg13 : memref<80xf32, #tpu.memory_space<vmem>>) target(%dma_start3A_95 : memref<80xf32, #tpu.memory_space<vmem_shared>>) target_semaphore(%run_scoped3A : memref<!tpu.dma_semaphore, #tpu.memory_space<semaphore_mem>>)
        %dma_wait3A = tpu.memref_slice %arg12[%add3A_94] : memref<10240xf32, #tpu.memory_space<vmem_shared>> -> memref<80xf32, #tpu.memory_space<vmem_shared>>
        %dma_wait3A_96 = tpu.memref_slice %arg12[%add3A_94] : memref<10240xf32, #tpu.memory_space<vmem_shared>> -> memref<80xf32, #tpu.memory_space<vmem_shared>>
        tpu.wait_dma2 semaphore(%run_scoped3A : memref<!tpu.dma_semaphore, #tpu.memory_space<semaphore_mem>>) src(%arg13 : memref<80xf32, #tpu.memory_space<vmem>>) dst(%dma_wait3A_96 : memref<80xf32, #tpu.memory_space<vmem_shared>>)
        tpu.yield
      }) : () -> ()
    }
    %scan3A_41 = arith.constant 8 : i32
    %broadcast_in_dim3A_42 = arith.constant 1.000000e+00 : f32
    %broadcast_in_dim3A_43 = vector.broadcast %broadcast_in_dim3A_42 : f32 to vector<16xf32>
    %swap3A_44 = arith.constant 0 : index
    %swap3A_45 = tpu.vector_load %arg13[%swap3A_44] {strides = array<i32>} : memref<80xf32, #tpu.memory_space<vmem>>, vector<16xf32>,
    %swap3A_46 = vector.shape_cast %swap3A_45 : vector<16xf32> to vector<16xf32>
    %swap3A_47 = vector.shape_cast %broadcast_in_dim3A_43 : vector<16xf32> to vector<16xf32>
    tpu.vector_store %arg13[%swap3A_44], %swap3A_47 {strides = array<i32>} : memref<80xf32, #tpu.memory_space<vmem>>, vector<16xf32>,
    %broadcast_in_dim3A_48 = arith.constant 1.000000e+00 : f32
    %broadcast_in_dim3A_49 = vector.broadcast %broadcast_in_dim3A_48 : f32 to vector<16xf32>
    %swap3A_50 = arith.constant 16 : index
    %swap3A_51 = tpu.vector_load %arg13[%swap3A_50] {strides = array<i32>} : memref<80xf32, #tpu.memory_space<vmem>>, vector<16xf32>,
    %swap3A_52 = vector.shape_cast %swap3A_51 : vector<16xf32> to vector<16xf32>
    %swap3A_53 = vector.shape_cast %broadcast_in_dim3A_49 : vector<16xf32> to vector<16xf32>
    tpu.vector_store %arg13[%swap3A_50], %swap3A_53 {strides = array<i32>} : memref<80xf32, #tpu.memory_space<vmem>>, vector<16xf32>,
    %broadcast_in_dim3A_54 = arith.constant 1.000000e+00 : f32
    %broadcast_in_dim3A_55 = vector.broadcast %broadcast_in_dim3A_54 : f32 to vector<16xf32>
    %swap3A_56 = arith.constant 32 : index
    %swap3A_57 = tpu.vector_load %arg13[%swap3A_56] {strides = array<i32>} : memref<80xf32, #tpu.memory_space<vmem>>, vector<16xf32>,
    %swap3A_58 = vector.shape_cast %swap3A_57 : vector<16xf32> to vector<16xf32>
    %swap3A_59 = vector.shape_cast %broadcast_in_dim3A_55 : vector<16xf32> to vector<16xf32>
    tpu.vector_store %arg13[%swap3A_56], %swap3A_59 {strides = array<i32>} : memref<80xf32, #tpu.memory_space<vmem>>, vector<16xf32>,
    %broadcast_in_dim3A_60 = arith.constant 1.000000e+00 : f32
    %broadcast_in_dim3A_61 = vector.broadcast %broadcast_in_dim3A_60 : f32 to vector<16xf32>
    %swap3A_62 = arith.constant 48 : index
    %swap3A_63 = tpu.vector_load %arg13[%swap3A_62] {strides = array<i32>} : memref<80xf32, #tpu.memory_space<vmem>>, vector<16xf32>,
    %swap3A_64 = vector.shape_cast %swap3A_63 : vector<16xf32> to vector<16xf32>
    %swap3A_65 = vector.shape_cast %broadcast_in_dim3A_61 : vector<16xf32> to vector<16xf32>
    tpu.vector_store %arg13[%swap3A_62], %swap3A_65 {strides = array<i32>} : memref<80xf32, #tpu.memory_space<vmem>>, vector<16xf32>,
    %broadcast_in_dim3A_66 = arith.constant 1.000000e+00 : f32
    %broadcast_in_dim3A_67 = vector.broadcast %broadcast_in_dim3A_66 : f32 to vector<16xf32>
    %swap3A_68 = arith.constant 64 : index
    %swap3A_69 = tpu.vector_load %arg13[%swap3A_68] {strides = array<i32>} : memref<80xf32, #tpu.memory_space<vmem>>, vector<16xf32>,
    %swap3A_70 = vector.shape_cast %swap3A_69 : vector<16xf32> to vector<16xf32>
    %swap3A_71 = vector.shape_cast %broadcast_in_dim3A_67 : vector<16xf32> to vector<16xf32>
    tpu.vector_store %arg13[%swap3A_68], %swap3A_71 {strides = array<i32>} : memref<80xf32, #tpu.memory_space<vmem>>, vector<16xf32>,
    %barrier3A = arith.constant 0 : index
    tpu.barrier barrier_id(%barrier3A)
    %scan3A_72 = arith.constant 0 : i32
    %scan3A_73 = arith.constant 0 : i32
    %scan3A_74 = arith.constant 5 : i32
    %scan3A_75 = arith.addi %scan3A_73, %scan3A_74 : i32
    %scan3A_76 = arith.constant 1 : i32
    scf.for %scan3A_88 = %scan3A_73 to %scan3A_75 step %scan3A_76  : i32 {
      "tpu.region"() ({
        %run_scoped3A = tpu.sem_alloc : memref<!tpu.dma_semaphore, #tpu.memory_space<semaphore_mem>>
        %dma_start3A = arith.constant 0 : i32
        %dma_start3A_101 = arith.constant 0 : i32
        %dma_start3A_102 = tpu.memref_slice %arg3[%add3A, %scan3A_88, %dma_start3A, %dma_start3A_101] : memref<32x5x25x80xi32, #tpu.memory_space<hbm>> -> memref<1x1x25x80xi32, #tpu.memory_space<hbm>>
        %dma_start3A_103 = tpu.memref_squeeze %dma_start3A_102 : memref<1x1x25x80xi32, #tpu.memory_space<hbm>> -> memref<25x80xi32, #tpu.memory_space<hbm>>
        %dma_start3A_104 = arith.constant 0 : i32
        %dma_start3A_105 = arith.constant 0 : i32
        %dma_start3A_106 = tpu.memref_slice %arg3[%add3A, %scan3A_88, %dma_start3A_104, %dma_start3A_105] : memref<32x5x25x80xi32, #tpu.memory_space<hbm>> -> memref<1x1x25x80xi32, #tpu.memory_space<hbm>>
        %dma_start3A_107 = tpu.memref_squeeze %dma_start3A_106 : memref<1x1x25x80xi32, #tpu.memory_space<hbm>> -> memref<25x80xi32, #tpu.memory_space<hbm>>
        tpu.enqueue_dma source(%dma_start3A_107 : memref<25x80xi32, #tpu.memory_space<hbm>>) target(%arg8 : memref<25x80xi32, #tpu.memory_space<vmem>>) target_semaphore(%run_scoped3A : memref<!tpu.dma_semaphore, #tpu.memory_space<semaphore_mem>>)
        %dma_wait3A = arith.constant 0 : i32
        %dma_wait3A_108 = arith.constant 0 : i32
        %dma_wait3A_109 = tpu.memref_slice %arg3[%add3A, %scan3A_88, %dma_wait3A, %dma_wait3A_108] : memref<32x5x25x80xi32, #tpu.memory_space<hbm>> -> memref<1x1x25x80xi32, #tpu.memory_space<hbm>>
        %dma_wait3A_110 = tpu.memref_squeeze %dma_wait3A_109 : memref<1x1x25x80xi32, #tpu.memory_space<hbm>> -> memref<25x80xi32, #tpu.memory_space<hbm>>
        %dma_wait3A_111 = arith.constant 0 : i32
        %dma_wait3A_112 = arith.constant 0 : i32
        %dma_wait3A_113 = tpu.memref_slice %arg3[%add3A, %scan3A_88, %dma_wait3A_111, %dma_wait3A_112] : memref<32x5x25x80xi32, #tpu.memory_space<hbm>> -> memref<1x1x25x80xi32, #tpu.memory_space<hbm>>
        %dma_wait3A_114 = tpu.memref_squeeze %dma_wait3A_113 : memref<1x1x25x80xi32, #tpu.memory_space<hbm>> -> memref<25x80xi32, #tpu.memory_space<hbm>>
        tpu.wait_dma2 semaphore(%run_scoped3A : memref<!tpu.dma_semaphore, #tpu.memory_space<semaphore_mem>>) src(%dma_wait3A_114 : memref<25x80xi32, #tpu.memory_space<hbm>>) dst(%arg8 : memref<25x80xi32, #tpu.memory_space<vmem>>)
        tpu.yield
      }) : () -> ()
      "tpu.region"() ({
        %run_scoped3A = tpu.sem_alloc : memref<!tpu.dma_semaphore, #tpu.memory_space<semaphore_mem>>
        %dma_start3A = arith.constant 0 : i32
        %dma_start3A_101 = arith.constant 0 : i32
        %dma_start3A_102 = tpu.memref_slice %arg4[%add3A, %scan3A_88, %dma_start3A, %dma_start3A_101] : memref<32x5x25x80xi32, #tpu.memory_space<hbm>> -> memref<1x1x25x80xi32, #tpu.memory_space<hbm>>
        %dma_start3A_103 = tpu.memref_squeeze %dma_start3A_102 : memref<1x1x25x80xi32, #tpu.memory_space<hbm>> -> memref<25x80xi32, #tpu.memory_space<hbm>>
        %dma_start3A_104 = arith.constant 0 : i32
        %dma_start3A_105 = arith.constant 0 : i32
        %dma_start3A_106 = tpu.memref_slice %arg4[%add3A, %scan3A_88, %dma_start3A_104, %dma_start3A_105] : memref<32x5x25x80xi32, #tpu.memory_space<hbm>> -> memref<1x1x25x80xi32, #tpu.memory_space<hbm>>
        %dma_start3A_107 = tpu.memref_squeeze %dma_start3A_106 : memref<1x1x25x80xi32, #tpu.memory_space<hbm>> -> memref<25x80xi32, #tpu.memory_space<hbm>>
        tpu.enqueue_dma source(%dma_start3A_107 : memref<25x80xi32, #tpu.memory_space<hbm>>) target(%arg9 : memref<25x80xi32, #tpu.memory_space<vmem>>) target_semaphore(%run_scoped3A : memref<!tpu.dma_semaphore, #tpu.memory_space<semaphore_mem>>)
        %dma_wait3A = arith.constant 0 : i32
        %dma_wait3A_108 = arith.constant 0 : i32
        %dma_wait3A_109 = tpu.memref_slice %arg4[%add3A, %scan3A_88, %dma_wait3A, %dma_wait3A_108] : memref<32x5x25x80xi32, #tpu.memory_space<hbm>> -> memref<1x1x25x80xi32, #tpu.memory_space<hbm>>
        %dma_wait3A_110 = tpu.memref_squeeze %dma_wait3A_109 : memref<1x1x25x80xi32, #tpu.memory_space<hbm>> -> memref<25x80xi32, #tpu.memory_space<hbm>>
        %dma_wait3A_111 = arith.constant 0 : i32
        %dma_wait3A_112 = arith.constant 0 : i32
        %dma_wait3A_113 = tpu.memref_slice %arg4[%add3A, %scan3A_88, %dma_wait3A_111, %dma_wait3A_112] : memref<32x5x25x80xi32, #tpu.memory_space<hbm>> -> memref<1x1x25x80xi32, #tpu.memory_space<hbm>>
        %dma_wait3A_114 = tpu.memref_squeeze %dma_wait3A_113 : memref<1x1x25x80xi32, #tpu.memory_space<hbm>> -> memref<25x80xi32, #tpu.memory_space<hbm>>
        tpu.wait_dma2 semaphore(%run_scoped3A : memref<!tpu.dma_semaphore, #tpu.memory_space<semaphore_mem>>) src(%dma_wait3A_114 : memref<25x80xi32, #tpu.memory_space<hbm>>) dst(%arg9 : memref<25x80xi32, #tpu.memory_space<vmem>>)
        tpu.yield
      }) : () -> ()
      %scan3A_89 = arith.constant 0 : i32
      %scan3A_90 = arith.constant 0 : i32
      %scan3A_91 = arith.constant 25 : i32
      %scan3A_92 = arith.addi %scan3A_90, %scan3A_91 : i32
      %scan3A_93 = arith.constant 1 : i32
      scf.for %scan3A_101 = %scan3A_90 to %scan3A_92 step %scan3A_93  : i32 {
        %dma_start3A = arith.constant 0 : i32
        %dma_start3A_102 = tpu.memref_slice %arg8[%scan3A_101, %dma_start3A] : memref<25x80xi32, #tpu.memory_space<vmem>> -> memref<1x80xi32, #tpu.memory_space<vmem>>
        %dma_start3A_103 = tpu.memref_squeeze %dma_start3A_102 : memref<1x80xi32, #tpu.memory_space<vmem>> -> memref<80xi32, #tpu.memory_space<vmem>>
        %dma_start3A_104 = arith.constant 0 : i32
        %dma_start3A_105 = arith.constant 0 : i32
        %dma_start3A_106 = tpu.memref_slice %arg2[%dma_start3A_104, %dma_start3A_105] : memref<10240x128xf32, #tpu.memory_space<hbm>> -> memref<10240x128xf32, #tpu.memory_space<hbm>>
        tpu.enqueue_indirect_dma source(%dma_start3A_106 : memref<10240x128xf32, #tpu.memory_space<hbm>>) target(%arg10 : memref<80x128xf32, #tpu.memory_space<vmem>>) offsets(%dma_start3A_103 : memref<80xi32, #tpu.memory_space<vmem>>) semaphore(%arg11 : memref<!tpu.dma_semaphore, #tpu.memory_space<semaphore_mem>>)
        %dma_wait3A = arith.constant 0 : i32
        %dma_wait3A_107 = tpu.memref_slice %arg8[%scan3A_101, %dma_wait3A] : memref<25x80xi32, #tpu.memory_space<vmem>> -> memref<1x80xi32, #tpu.memory_space<vmem>>
        %dma_wait3A_108 = tpu.memref_squeeze %dma_wait3A_107 : memref<1x80xi32, #tpu.memory_space<vmem>> -> memref<80xi32, #tpu.memory_space<vmem>>
        %dma_wait3A_109 = arith.constant 0 : i32
        %dma_wait3A_110 = arith.constant 0 : i32
        %dma_wait3A_111 = tpu.memref_slice %arg2[%dma_wait3A_109, %dma_wait3A_110] : memref<10240x128xf32, #tpu.memory_space<hbm>> -> memref<10240x128xf32, #tpu.memory_space<hbm>>
        tpu.wait_indirect_dma semaphore(%arg11 : memref<!tpu.dma_semaphore, #tpu.memory_space<semaphore_mem>>) src(%dma_wait3A_111 : memref<10240x128xf32, #tpu.memory_space<hbm>>) dst(%arg10 : memref<80x128xf32, #tpu.memory_space<vmem>>)
        "tpu.region"() ({
          %run_scoped3A = tpu.sem_alloc : memref<!tpu.dma_semaphore, #tpu.memory_space<semaphore_mem>>
          %dma_start3A_117 = arith.constant 0 : i32
          %dma_start3A_118 = tpu.memref_slice %arg9[%scan3A_101, %dma_start3A_117] : memref<25x80xi32, #tpu.memory_space<vmem>> -> memref<1x80xi32, #tpu.memory_space<vmem>>
          %dma_start3A_119 = tpu.memref_squeeze %dma_start3A_118 : memref<1x80xi32, #tpu.memory_space<vmem>> -> memref<80xi32, #tpu.memory_space<vmem>>
          %dma_start3A_120 = arith.constant 0 : i32
          %dma_start3A_121 = arith.constant 0 : i32
          %dma_start3A_122 = tpu.memref_slice %arg7[%dma_start3A_120, %dma_start3A_121] : memref<10240x128xf32, #tpu.memory_space<vmem_shared>> -> memref<10240x128xf32, #tpu.memory_space<vmem_shared>>
          tpu.enqueue_indirect_dma source(%arg10 : memref<80x128xf32, #tpu.memory_space<vmem>>) target(%dma_start3A_122 : memref<10240x128xf32, #tpu.memory_space<vmem_shared>>) offsets(%dma_start3A_119 : memref<80xi32, #tpu.memory_space<vmem>>) semaphore(%run_scoped3A : memref<!tpu.dma_semaphore, #tpu.memory_space<semaphore_mem>>) {add = true}
          %dma_wait3A_123 = arith.constant 0 : i32
          %dma_wait3A_124 = tpu.memref_slice %arg9[%scan3A_101, %dma_wait3A_123] : memref<25x80xi32, #tpu.memory_space<vmem>> -> memref<1x80xi32, #tpu.memory_space<vmem>>
          %dma_wait3A_125 = tpu.memref_squeeze %dma_wait3A_124 : memref<1x80xi32, #tpu.memory_space<vmem>> -> memref<80xi32, #tpu.memory_space<vmem>>
          %dma_wait3A_126 = arith.constant 0 : i32
          %dma_wait3A_127 = arith.constant 0 : i32
          %dma_wait3A_128 = tpu.memref_slice %arg7[%dma_wait3A_126, %dma_wait3A_127] : memref<10240x128xf32, #tpu.memory_space<vmem_shared>> -> memref<10240x128xf32, #tpu.memory_space<vmem_shared>>
          tpu.wait_indirect_dma semaphore(%run_scoped3A : memref<!tpu.dma_semaphore, #tpu.memory_space<semaphore_mem>>) src(%arg10 : memref<80x128xf32, #tpu.memory_space<vmem>>) dst(%dma_wait3A_128 : memref<10240x128xf32, #tpu.memory_space<vmem_shared>>)
          tpu.yield
        }) : () -> ()
        %dma_start3A_112 = arith.constant 0 : i32
        %dma_start3A_113 = tpu.memref_slice %arg9[%scan3A_101, %dma_start3A_112] : memref<25x80xi32, #tpu.memory_space<vmem>> -> memref<1x80xi32, #tpu.memory_space<vmem>>
        %dma_start3A_114 = tpu.memref_squeeze %dma_start3A_113 : memref<1x80xi32, #tpu.memory_space<vmem>> -> memref<80xi32, #tpu.memory_space<vmem>>
        %dma_start3A_115 = arith.constant 0 : i32
        %dma_start3A_116 = tpu.memref_slice %arg12[%dma_start3A_115] : memref<10240xf32, #tpu.memory_space<vmem_shared>> -> memref<10240xf32, #tpu.memory_space<vmem_shared>>
        tpu.enqueue_indirect_dma source(%arg13 : memref<80xf32, #tpu.memory_space<vmem>>) target(%dma_start3A_116 : memref<10240xf32, #tpu.memory_space<vmem_shared>>) offsets(%dma_start3A_114 : memref<80xi32, #tpu.memory_space<vmem>>) semaphore(%arg15 : memref<!tpu.dma_semaphore, #tpu.memory_space<semaphore_mem>>) {add = true}
      }
      %scan3A_94 = arith.constant 25 : i32
      %scan3A_95 = arith.constant 0 : i32
      %scan3A_96 = arith.constant 0 : i32
      %scan3A_97 = arith.constant 25 : i32
      %scan3A_98 = arith.addi %scan3A_96, %scan3A_97 : i32
      %scan3A_99 = arith.constant 1 : i32
      scf.for %scan3A_101 = %scan3A_96 to %scan3A_98 step %scan3A_99  : i32 {
        %dma_wait3A = arith.constant 0 : i32
        %dma_wait3A_102 = tpu.memref_slice %arg9[%scan3A_101, %dma_wait3A] : memref<25x80xi32, #tpu.memory_space<vmem>> -> memref<1x80xi32, #tpu.memory_space<vmem>>
        %dma_wait3A_103 = tpu.memref_squeeze %dma_wait3A_102 : memref<1x80xi32, #tpu.memory_space<vmem>> -> memref<80xi32, #tpu.memory_space<vmem>>
        %dma_wait3A_104 = arith.constant 0 : i32
        %dma_wait3A_105 = tpu.memref_slice %arg12[%dma_wait3A_104] : memref<10240xf32, #tpu.memory_space<vmem_shared>> -> memref<10240xf32, #tpu.memory_space<vmem_shared>>
        tpu.wait_indirect_dma semaphore(%arg15 : memref<!tpu.dma_semaphore, #tpu.memory_space<semaphore_mem>>) src(%arg13 : memref<80xf32, #tpu.memory_space<vmem>>) dst(%dma_wait3A_105 : memref<10240xf32, #tpu.memory_space<vmem_shared>>)
      }
      %scan3A_100 = arith.constant 25 : i32
    }
    %scan3A_77 = arith.constant 5 : i32
    %barrier3A_78 = arith.constant 0 : index
    tpu.barrier barrier_id(%barrier3A_78)
    %scan3A_79 = arith.constant 0 : i32
    %scan3A_80 = arith.constant 0 : i32
    %scan3A_81 = arith.constant 8 : i32
    %scan3A_82 = arith.addi %scan3A_80, %scan3A_81 : i32
    %scan3A_83 = arith.constant 1 : i32
    scf.for %scan3A_88 = %scan3A_80 to %scan3A_82 step %scan3A_83  : i32 {
      %mul3A_89 = arith.constant 80 : i32
      %mul3A_90 = arith.muli %scan3A_88, %mul3A_89 : i32
      %add3A_91 = arith.addi %mul3A_2, %mul3A_90 : i32
      "tpu.region"() ({
        %run_scoped3A = tpu.sem_alloc : memref<!tpu.dma_semaphore, #tpu.memory_space<semaphore_mem>>
        %dma_start3A = arith.constant 0 : i32
        %dma_start3A_92 = tpu.memref_slice %arg5[%arg0, %add3A_91, %dma_start3A] : memref<2x10240x128xf32, #tpu.memory_space<hbm>> -> memref<1x80x128xf32, #tpu.memory_space<hbm>>
        %dma_start3A_93 = tpu.memref_squeeze %dma_start3A_92 : memref<1x80x128xf32, #tpu.memory_space<hbm>> -> memref<80x128xf32, #tpu.memory_space<hbm>>
        %dma_start3A_94 = arith.constant 0 : i32
        %dma_start3A_95 = tpu.memref_slice %arg7[%add3A_91, %dma_start3A_94] : memref<10240x128xf32, #tpu.memory_space<vmem_shared>> -> memref<80x128xf32, #tpu.memory_space<vmem_shared>>
        tpu.enqueue_dma source(%dma_start3A_95 : memref<80x128xf32, #tpu.memory_space<vmem_shared>>) target(%dma_start3A_93 : memref<80x128xf32, #tpu.memory_space<hbm>>) target_semaphore(%run_scoped3A : memref<!tpu.dma_semaphore, #tpu.memory_space<semaphore_mem>>)
        %dma_wait3A = arith.constant 0 : i32
        %dma_wait3A_96 = tpu.memref_slice %arg5[%arg0, %add3A_91, %dma_wait3A] : memref<2x10240x128xf32, #tpu.memory_space<hbm>> -> memref<1x80x128xf32, #tpu.memory_space<hbm>>
        %dma_wait3A_97 = tpu.memref_squeeze %dma_wait3A_96 : memref<1x80x128xf32, #tpu.memory_space<hbm>> -> memref<80x128xf32, #tpu.memory_space<hbm>>
        %dma_wait3A_98 = arith.constant 0 : i32
        %dma_wait3A_99 = tpu.memref_slice %arg7[%add3A_91, %dma_wait3A_98] : memref<10240x128xf32, #tpu.memory_space<vmem_shared>> -> memref<80x128xf32, #tpu.memory_space<vmem_shared>>
        tpu.wait_dma2 semaphore(%run_scoped3A : memref<!tpu.dma_semaphore, #tpu.memory_space<semaphore_mem>>) src(%dma_wait3A_99 : memref<80x128xf32, #tpu.memory_space<vmem_shared>>) dst(%dma_wait3A_97 : memref<80x128xf32, #tpu.memory_space<hbm>>)
        tpu.yield
      }) : () -> ()
    }
    %scan3A_84 = arith.constant 8 : i32
    "tpu.region"() ({
      %run_scoped3A = tpu.sem_alloc : memref<!tpu.dma_semaphore, #tpu.memory_space<semaphore_mem>>
      %dma_start3A = tpu.memref_slice %arg12[%mul3A_2] : memref<10240xf32, #tpu.memory_space<vmem_shared>> -> memref<640xf32, #tpu.memory_space<vmem_shared>>
      %dma_start3A_88 = tpu.memref_slice %arg12[%mul3A_2] : memref<10240xf32, #tpu.memory_space<vmem_shared>> -> memref<640xf32, #tpu.memory_space<vmem_shared>>
      tpu.enqueue_dma source(%dma_start3A_88 : memref<640xf32, #tpu.memory_space<vmem_shared>>) target(%arg14 : memref<640xf32, #tpu.memory_space<vmem>>) target_semaphore(%run_scoped3A : memref<!tpu.dma_semaphore, #tpu.memory_space<semaphore_mem>>)
      %dma_wait3A = tpu.memref_slice %arg12[%mul3A_2] : memref<10240xf32, #tpu.memory_space<vmem_shared>> -> memref<640xf32, #tpu.memory_space<vmem_shared>>
      %dma_wait3A_89 = tpu.memref_slice %arg12[%mul3A_2] : memref<10240xf32, #tpu.memory_space<vmem_shared>> -> memref<640xf32, #tpu.memory_space<vmem_shared>>
      tpu.wait_dma2 semaphore(%run_scoped3A : memref<!tpu.dma_semaphore, #tpu.memory_space<semaphore_mem>>) src(%dma_wait3A_89 : memref<640xf32, #tpu.memory_space<vmem_shared>>) dst(%arg14 : memref<640xf32, #tpu.memory_space<vmem>>)
      tpu.yield
    }) : () -> ()
    %mul3A_85 = arith.constant 10240 : i32
    %mul3A_86 = arith.muli %arg0, %mul3A_85 : i32
    %add3A_87 = arith.addi %mul3A_86, %mul3A_2 : i32
    "tpu.region"() ({
      %run_scoped3A = tpu.sem_alloc : memref<!tpu.dma_semaphore, #tpu.memory_space<semaphore_mem>>
      %dma_start3A = tpu.memref_slice %arg6[%add3A_87] : memref<20480xf32, #tpu.memory_space<hbm>> -> memref<640xf32, #tpu.memory_space<hbm>>
      %dma_start3A_88 = tpu.memref_slice %arg6[%add3A_87] : memref<20480xf32, #tpu.memory_space<hbm>> -> memref<640xf32, #tpu.memory_space<hbm>>
      tpu.enqueue_dma source(%arg14 : memref<640xf32, #tpu.memory_space<vmem>>) target(%dma_start3A_88 : memref<640xf32, #tpu.memory_space<hbm>>) target_semaphore(%run_scoped3A : memref<!tpu.dma_semaphore, #tpu.memory_space<semaphore_mem>>)
      %dma_wait3A = tpu.memref_slice %arg6[%add3A_87] : memref<20480xf32, #tpu.memory_space<hbm>> -> memref<640xf32, #tpu.memory_space<hbm>>
      %dma_wait3A_89 = tpu.memref_slice %arg6[%add3A_87] : memref<20480xf32, #tpu.memory_space<hbm>> -> memref<640xf32, #tpu.memory_space<hbm>>
      tpu.wait_dma2 semaphore(%run_scoped3A : memref<!tpu.dma_semaphore, #tpu.memory_space<semaphore_mem>>) src(%arg14 : memref<640xf32, #tpu.memory_space<vmem>>) dst(%dma_wait3A_89 : memref<640xf32, #tpu.memory_space<hbm>>)
      tpu.yield
    }) : () -> ()
    return
  }
}

#map = affine_map<(d0, d1) -> (0, 0)>
#map1 = affine_map<(d0, d1) -> (0, 0, 0, 0)>
#map2 = affine_map<(d0, d1) -> (0, 0, 0)>
module attributes {stable_mosaic.version = 14 : i64} {
  func.func @body(%arg0: i32, %arg1: i32, %arg2: memref<10240x128xf32, #tpu.memory_space<hbm>>, %arg3: memref<32x5x25x80xi32, #tpu.memory_space<hbm>>, %arg4: memref<32x5x25x80xi32, #tpu.memory_space<hbm>>, %arg5: memref<2x10240x128xf32, #tpu.memory_space<hbm>>, %arg6: memref<10240x128xf32, #tpu.memory_space<vmem_shared>>, %arg7: memref<25x80xi32, #tpu.memory_space<vmem>>, %arg8: memref<25x80xi32, #tpu.memory_space<vmem>>, %arg9: memref<80x128xf32, #tpu.memory_space<vmem>>, %arg10: memref<!tpu.dma_semaphore, #tpu.memory_space<semaphore_mem>>) attributes {dimension_semantics = [#tpu.dimension_semantics<core_parallel>, #tpu.dimension_semantics<subcore_parallel>], iteration_bounds = array<i64: 2, 16>, scalar_prefetch = 0 : i64, scratch_operands = 5 : i64, tpu.core_type = #tpu.core_type<sc_vector_subcore>, window_params = [{transform_indices = #map}, {transform_indices = #map1}, {transform_indices = #map1}, {transform_indices = #map2}]} {
    %mul3A = arith.constant 16 : i32
    %mul3A_0 = arith.muli %arg0, %mul3A : i32
    %add3A = arith.addi %mul3A_0, %arg1 : i32
    %mul3A_1 = arith.constant 640 : i32
    %mul3A_2 = arith.muli %arg1, %mul3A_1 : i32
    %scan3A = arith.constant 0 : i32
    %scan3A_3 = arith.constant 0 : i32
    %scan3A_4 = arith.constant 80 : i32
    %scan3A_5 = arith.addi %scan3A_3, %scan3A_4 : i32
    %scan3A_6 = arith.constant 1 : i32
    scf.for %scan3A_27 = %scan3A_3 to %scan3A_5 step %scan3A_6  : i32 {
      %broadcast_in_dim3A = arith.constant 0.000000e+00 : f32
      %broadcast_in_dim3A_28 = vector.broadcast %broadcast_in_dim3A : f32 to vector<16xf32>
      %swap3A = arith.index_cast %scan3A_27 : i32 to index
      %swap3A_29 = arith.constant 0 : index
      %swap3A_30 = tpu.vector_load %arg9[%swap3A, %swap3A_29] {strides = array<i32>} : memref<80x128xf32, #tpu.memory_space<vmem>>, vector<1x16xf32>,
      %swap3A_31 = vector.shape_cast %swap3A_30 : vector<1x16xf32> to vector<16xf32>
      %swap3A_32 = vector.shape_cast %broadcast_in_dim3A_28 : vector<16xf32> to vector<1x16xf32>
      tpu.vector_store %arg9[%swap3A, %swap3A_29], %swap3A_32 {strides = array<i32>} : memref<80x128xf32, #tpu.memory_space<vmem>>, vector<1x16xf32>,
      %broadcast_in_dim3A_33 = arith.constant 0.000000e+00 : f32
      %broadcast_in_dim3A_34 = vector.broadcast %broadcast_in_dim3A_33 : f32 to vector<16xf32>
      %swap3A_35 = arith.index_cast %scan3A_27 : i32 to index
      %swap3A_36 = arith.constant 16 : index
      %swap3A_37 = tpu.vector_load %arg9[%swap3A_35, %swap3A_36] {strides = array<i32>} : memref<80x128xf32, #tpu.memory_space<vmem>>, vector<1x16xf32>,
      %swap3A_38 = vector.shape_cast %swap3A_37 : vector<1x16xf32> to vector<16xf32>
      %swap3A_39 = vector.shape_cast %broadcast_in_dim3A_34 : vector<16xf32> to vector<1x16xf32>
      tpu.vector_store %arg9[%swap3A_35, %swap3A_36], %swap3A_39 {strides = array<i32>} : memref<80x128xf32, #tpu.memory_space<vmem>>, vector<1x16xf32>,
      %broadcast_in_dim3A_40 = arith.constant 0.000000e+00 : f32
      %broadcast_in_dim3A_41 = vector.broadcast %broadcast_in_dim3A_40 : f32 to vector<16xf32>
      %swap3A_42 = arith.index_cast %scan3A_27 : i32 to index
      %swap3A_43 = arith.constant 32 : index
      %swap3A_44 = tpu.vector_load %arg9[%swap3A_42, %swap3A_43] {strides = array<i32>} : memref<80x128xf32, #tpu.memory_space<vmem>>, vector<1x16xf32>,
      %swap3A_45 = vector.shape_cast %swap3A_44 : vector<1x16xf32> to vector<16xf32>
      %swap3A_46 = vector.shape_cast %broadcast_in_dim3A_41 : vector<16xf32> to vector<1x16xf32>
      tpu.vector_store %arg9[%swap3A_42, %swap3A_43], %swap3A_46 {strides = array<i32>} : memref<80x128xf32, #tpu.memory_space<vmem>>, vector<1x16xf32>,
      %broadcast_in_dim3A_47 = arith.constant 0.000000e+00 : f32
      %broadcast_in_dim3A_48 = vector.broadcast %broadcast_in_dim3A_47 : f32 to vector<16xf32>
      %swap3A_49 = arith.index_cast %scan3A_27 : i32 to index
      %swap3A_50 = arith.constant 48 : index
      %swap3A_51 = tpu.vector_load %arg9[%swap3A_49, %swap3A_50] {strides = array<i32>} : memref<80x128xf32, #tpu.memory_space<vmem>>, vector<1x16xf32>,
      %swap3A_52 = vector.shape_cast %swap3A_51 : vector<1x16xf32> to vector<16xf32>
      %swap3A_53 = vector.shape_cast %broadcast_in_dim3A_48 : vector<16xf32> to vector<1x16xf32>
      tpu.vector_store %arg9[%swap3A_49, %swap3A_50], %swap3A_53 {strides = array<i32>} : memref<80x128xf32, #tpu.memory_space<vmem>>, vector<1x16xf32>,
      %broadcast_in_dim3A_54 = arith.constant 0.000000e+00 : f32
      %broadcast_in_dim3A_55 = vector.broadcast %broadcast_in_dim3A_54 : f32 to vector<16xf32>
      %swap3A_56 = arith.index_cast %scan3A_27 : i32 to index
      %swap3A_57 = arith.constant 64 : index
      %swap3A_58 = tpu.vector_load %arg9[%swap3A_56, %swap3A_57] {strides = array<i32>} : memref<80x128xf32, #tpu.memory_space<vmem>>, vector<1x16xf32>,
      %swap3A_59 = vector.shape_cast %swap3A_58 : vector<1x16xf32> to vector<16xf32>
      %swap3A_60 = vector.shape_cast %broadcast_in_dim3A_55 : vector<16xf32> to vector<1x16xf32>
      tpu.vector_store %arg9[%swap3A_56, %swap3A_57], %swap3A_60 {strides = array<i32>} : memref<80x128xf32, #tpu.memory_space<vmem>>, vector<1x16xf32>,
      %broadcast_in_dim3A_61 = arith.constant 0.000000e+00 : f32
      %broadcast_in_dim3A_62 = vector.broadcast %broadcast_in_dim3A_61 : f32 to vector<16xf32>
      %swap3A_63 = arith.index_cast %scan3A_27 : i32 to index
      %swap3A_64 = arith.constant 80 : index
      %swap3A_65 = tpu.vector_load %arg9[%swap3A_63, %swap3A_64] {strides = array<i32>} : memref<80x128xf32, #tpu.memory_space<vmem>>, vector<1x16xf32>,
      %swap3A_66 = vector.shape_cast %swap3A_65 : vector<1x16xf32> to vector<16xf32>
      %swap3A_67 = vector.shape_cast %broadcast_in_dim3A_62 : vector<16xf32> to vector<1x16xf32>
      tpu.vector_store %arg9[%swap3A_63, %swap3A_64], %swap3A_67 {strides = array<i32>} : memref<80x128xf32, #tpu.memory_space<vmem>>, vector<1x16xf32>,
      %broadcast_in_dim3A_68 = arith.constant 0.000000e+00 : f32
      %broadcast_in_dim3A_69 = vector.broadcast %broadcast_in_dim3A_68 : f32 to vector<16xf32>
      %swap3A_70 = arith.index_cast %scan3A_27 : i32 to index
      %swap3A_71 = arith.constant 96 : index
      %swap3A_72 = tpu.vector_load %arg9[%swap3A_70, %swap3A_71] {strides = array<i32>} : memref<80x128xf32, #tpu.memory_space<vmem>>, vector<1x16xf32>,
      %swap3A_73 = vector.shape_cast %swap3A_72 : vector<1x16xf32> to vector<16xf32>
      %swap3A_74 = vector.shape_cast %broadcast_in_dim3A_69 : vector<16xf32> to vector<1x16xf32>
      tpu.vector_store %arg9[%swap3A_70, %swap3A_71], %swap3A_74 {strides = array<i32>} : memref<80x128xf32, #tpu.memory_space<vmem>>, vector<1x16xf32>,
      %broadcast_in_dim3A_75 = arith.constant 0.000000e+00 : f32
      %broadcast_in_dim3A_76 = vector.broadcast %broadcast_in_dim3A_75 : f32 to vector<16xf32>
      %swap3A_77 = arith.index_cast %scan3A_27 : i32 to index
      %swap3A_78 = arith.constant 112 : index
      %swap3A_79 = tpu.vector_load %arg9[%swap3A_77, %swap3A_78] {strides = array<i32>} : memref<80x128xf32, #tpu.memory_space<vmem>>, vector<1x16xf32>,
      %swap3A_80 = vector.shape_cast %swap3A_79 : vector<1x16xf32> to vector<16xf32>
      %swap3A_81 = vector.shape_cast %broadcast_in_dim3A_76 : vector<16xf32> to vector<1x16xf32>
      tpu.vector_store %arg9[%swap3A_77, %swap3A_78], %swap3A_81 {strides = array<i32>} : memref<80x128xf32, #tpu.memory_space<vmem>>, vector<1x16xf32>,
    }
    %scan3A_7 = arith.constant 80 : i32
    %scan3A_8 = arith.constant 0 : i32
    %scan3A_9 = arith.constant 0 : i32
    %scan3A_10 = arith.constant 8 : i32
    %scan3A_11 = arith.addi %scan3A_9, %scan3A_10 : i32
    %scan3A_12 = arith.constant 1 : i32
    scf.for %scan3A_27 = %scan3A_9 to %scan3A_11 step %scan3A_12  : i32 {
      %mul3A_28 = arith.constant 80 : i32
      %mul3A_29 = arith.muli %scan3A_27, %mul3A_28 : i32
      %add3A_30 = arith.addi %mul3A_2, %mul3A_29 : i32
      "tpu.region"() ({
        %run_scoped3A = tpu.sem_alloc : memref<!tpu.dma_semaphore, #tpu.memory_space<semaphore_mem>>
        %dma_start3A = arith.constant 0 : i32
        %dma_start3A_31 = tpu.memref_slice %arg6[%add3A_30, %dma_start3A] : memref<10240x128xf32, #tpu.memory_space<vmem_shared>> -> memref<80x128xf32, #tpu.memory_space<vmem_shared>>
        %dma_start3A_32 = arith.constant 0 : i32
        %dma_start3A_33 = tpu.memref_slice %arg6[%add3A_30, %dma_start3A_32] : memref<10240x128xf32, #tpu.memory_space<vmem_shared>> -> memref<80x128xf32, #tpu.memory_space<vmem_shared>>
        tpu.enqueue_dma source(%arg9 : memref<80x128xf32, #tpu.memory_space<vmem>>) target(%dma_start3A_33 : memref<80x128xf32, #tpu.memory_space<vmem_shared>>) target_semaphore(%run_scoped3A : memref<!tpu.dma_semaphore, #tpu.memory_space<semaphore_mem>>)
        %dma_wait3A = arith.constant 0 : i32
        %dma_wait3A_34 = tpu.memref_slice %arg6[%add3A_30, %dma_wait3A] : memref<10240x128xf32, #tpu.memory_space<vmem_shared>> -> memref<80x128xf32, #tpu.memory_space<vmem_shared>>
        %dma_wait3A_35 = arith.constant 0 : i32
        %dma_wait3A_36 = tpu.memref_slice %arg6[%add3A_30, %dma_wait3A_35] : memref<10240x128xf32, #tpu.memory_space<vmem_shared>> -> memref<80x128xf32, #tpu.memory_space<vmem_shared>>
        tpu.wait_dma2 semaphore(%run_scoped3A : memref<!tpu.dma_semaphore, #tpu.memory_space<semaphore_mem>>) src(%arg9 : memref<80x128xf32, #tpu.memory_space<vmem>>) dst(%dma_wait3A_36 : memref<80x128xf32, #tpu.memory_space<vmem_shared>>)
        tpu.yield
      }) : () -> ()
    }
    %scan3A_13 = arith.constant 8 : i32
    %barrier3A = arith.constant 0 : index
    tpu.barrier barrier_id(%barrier3A)
    %scan3A_14 = arith.constant 0 : i32
    %scan3A_15 = arith.constant 0 : i32
    %scan3A_16 = arith.constant 5 : i32
    %scan3A_17 = arith.addi %scan3A_15, %scan3A_16 : i32
    %scan3A_18 = arith.constant 1 : i32
    scf.for %scan3A_27 = %scan3A_15 to %scan3A_17 step %scan3A_18  : i32 {
      "tpu.region"() ({
        %run_scoped3A = tpu.sem_alloc : memref<!tpu.dma_semaphore, #tpu.memory_space<semaphore_mem>>
        %dma_start3A = arith.constant 0 : i32
        %dma_start3A_34 = arith.constant 0 : i32
        %dma_start3A_35 = tpu.memref_slice %arg3[%add3A, %scan3A_27, %dma_start3A, %dma_start3A_34] : memref<32x5x25x80xi32, #tpu.memory_space<hbm>> -> memref<1x1x25x80xi32, #tpu.memory_space<hbm>>
        %dma_start3A_36 = tpu.memref_squeeze %dma_start3A_35 : memref<1x1x25x80xi32, #tpu.memory_space<hbm>> -> memref<25x80xi32, #tpu.memory_space<hbm>>
        %dma_start3A_37 = arith.constant 0 : i32
        %dma_start3A_38 = arith.constant 0 : i32
        %dma_start3A_39 = tpu.memref_slice %arg3[%add3A, %scan3A_27, %dma_start3A_37, %dma_start3A_38] : memref<32x5x25x80xi32, #tpu.memory_space<hbm>> -> memref<1x1x25x80xi32, #tpu.memory_space<hbm>>
        %dma_start3A_40 = tpu.memref_squeeze %dma_start3A_39 : memref<1x1x25x80xi32, #tpu.memory_space<hbm>> -> memref<25x80xi32, #tpu.memory_space<hbm>>
        tpu.enqueue_dma source(%dma_start3A_40 : memref<25x80xi32, #tpu.memory_space<hbm>>) target(%arg7 : memref<25x80xi32, #tpu.memory_space<vmem>>) target_semaphore(%run_scoped3A : memref<!tpu.dma_semaphore, #tpu.memory_space<semaphore_mem>>)
        %dma_wait3A = arith.constant 0 : i32
        %dma_wait3A_41 = arith.constant 0 : i32
        %dma_wait3A_42 = tpu.memref_slice %arg3[%add3A, %scan3A_27, %dma_wait3A, %dma_wait3A_41] : memref<32x5x25x80xi32, #tpu.memory_space<hbm>> -> memref<1x1x25x80xi32, #tpu.memory_space<hbm>>
        %dma_wait3A_43 = tpu.memref_squeeze %dma_wait3A_42 : memref<1x1x25x80xi32, #tpu.memory_space<hbm>> -> memref<25x80xi32, #tpu.memory_space<hbm>>
        %dma_wait3A_44 = arith.constant 0 : i32
        %dma_wait3A_45 = arith.constant 0 : i32
        %dma_wait3A_46 = tpu.memref_slice %arg3[%add3A, %scan3A_27, %dma_wait3A_44, %dma_wait3A_45] : memref<32x5x25x80xi32, #tpu.memory_space<hbm>> -> memref<1x1x25x80xi32, #tpu.memory_space<hbm>>
        %dma_wait3A_47 = tpu.memref_squeeze %dma_wait3A_46 : memref<1x1x25x80xi32, #tpu.memory_space<hbm>> -> memref<25x80xi32, #tpu.memory_space<hbm>>
        tpu.wait_dma2 semaphore(%run_scoped3A : memref<!tpu.dma_semaphore, #tpu.memory_space<semaphore_mem>>) src(%dma_wait3A_47 : memref<25x80xi32, #tpu.memory_space<hbm>>) dst(%arg7 : memref<25x80xi32, #tpu.memory_space<vmem>>)
        tpu.yield
      }) : () -> ()
      "tpu.region"() ({
        %run_scoped3A = tpu.sem_alloc : memref<!tpu.dma_semaphore, #tpu.memory_space<semaphore_mem>>
        %dma_start3A = arith.constant 0 : i32
        %dma_start3A_34 = arith.constant 0 : i32
        %dma_start3A_35 = tpu.memref_slice %arg4[%add3A, %scan3A_27, %dma_start3A, %dma_start3A_34] : memref<32x5x25x80xi32, #tpu.memory_space<hbm>> -> memref<1x1x25x80xi32, #tpu.memory_space<hbm>>
        %dma_start3A_36 = tpu.memref_squeeze %dma_start3A_35 : memref<1x1x25x80xi32, #tpu.memory_space<hbm>> -> memref<25x80xi32, #tpu.memory_space<hbm>>
        %dma_start3A_37 = arith.constant 0 : i32
        %dma_start3A_38 = arith.constant 0 : i32
        %dma_start3A_39 = tpu.memref_slice %arg4[%add3A, %scan3A_27, %dma_start3A_37, %dma_start3A_38] : memref<32x5x25x80xi32, #tpu.memory_space<hbm>> -> memref<1x1x25x80xi32, #tpu.memory_space<hbm>>
        %dma_start3A_40 = tpu.memref_squeeze %dma_start3A_39 : memref<1x1x25x80xi32, #tpu.memory_space<hbm>> -> memref<25x80xi32, #tpu.memory_space<hbm>>
        tpu.enqueue_dma source(%dma_start3A_40 : memref<25x80xi32, #tpu.memory_space<hbm>>) target(%arg8 : memref<25x80xi32, #tpu.memory_space<vmem>>) target_semaphore(%run_scoped3A : memref<!tpu.dma_semaphore, #tpu.memory_space<semaphore_mem>>)
        %dma_wait3A = arith.constant 0 : i32
        %dma_wait3A_41 = arith.constant 0 : i32
        %dma_wait3A_42 = tpu.memref_slice %arg4[%add3A, %scan3A_27, %dma_wait3A, %dma_wait3A_41] : memref<32x5x25x80xi32, #tpu.memory_space<hbm>> -> memref<1x1x25x80xi32, #tpu.memory_space<hbm>>
        %dma_wait3A_43 = tpu.memref_squeeze %dma_wait3A_42 : memref<1x1x25x80xi32, #tpu.memory_space<hbm>> -> memref<25x80xi32, #tpu.memory_space<hbm>>
        %dma_wait3A_44 = arith.constant 0 : i32
        %dma_wait3A_45 = arith.constant 0 : i32
        %dma_wait3A_46 = tpu.memref_slice %arg4[%add3A, %scan3A_27, %dma_wait3A_44, %dma_wait3A_45] : memref<32x5x25x80xi32, #tpu.memory_space<hbm>> -> memref<1x1x25x80xi32, #tpu.memory_space<hbm>>
        %dma_wait3A_47 = tpu.memref_squeeze %dma_wait3A_46 : memref<1x1x25x80xi32, #tpu.memory_space<hbm>> -> memref<25x80xi32, #tpu.memory_space<hbm>>
        tpu.wait_dma2 semaphore(%run_scoped3A : memref<!tpu.dma_semaphore, #tpu.memory_space<semaphore_mem>>) src(%dma_wait3A_47 : memref<25x80xi32, #tpu.memory_space<hbm>>) dst(%arg8 : memref<25x80xi32, #tpu.memory_space<vmem>>)
        tpu.yield
      }) : () -> ()
      %scan3A_28 = arith.constant 0 : i32
      %scan3A_29 = arith.constant 0 : i32
      %scan3A_30 = arith.constant 25 : i32
      %scan3A_31 = arith.addi %scan3A_29, %scan3A_30 : i32
      %scan3A_32 = arith.constant 1 : i32
      scf.for %scan3A_34 = %scan3A_29 to %scan3A_31 step %scan3A_32  : i32 {
        %dma_start3A = arith.constant 0 : i32
        %dma_start3A_35 = tpu.memref_slice %arg7[%scan3A_34, %dma_start3A] : memref<25x80xi32, #tpu.memory_space<vmem>> -> memref<1x80xi32, #tpu.memory_space<vmem>>
        %dma_start3A_36 = tpu.memref_squeeze %dma_start3A_35 : memref<1x80xi32, #tpu.memory_space<vmem>> -> memref<80xi32, #tpu.memory_space<vmem>>
        %dma_start3A_37 = arith.constant 0 : i32
        %dma_start3A_38 = arith.constant 0 : i32
        %dma_start3A_39 = tpu.memref_slice %arg2[%dma_start3A_37, %dma_start3A_38] : memref<10240x128xf32, #tpu.memory_space<hbm>> -> memref<10240x128xf32, #tpu.memory_space<hbm>>
        tpu.enqueue_indirect_dma source(%dma_start3A_39 : memref<10240x128xf32, #tpu.memory_space<hbm>>) target(%arg9 : memref<80x128xf32, #tpu.memory_space<vmem>>) offsets(%dma_start3A_36 : memref<80xi32, #tpu.memory_space<vmem>>) semaphore(%arg10 : memref<!tpu.dma_semaphore, #tpu.memory_space<semaphore_mem>>)
        %dma_wait3A = arith.constant 0 : i32
        %dma_wait3A_40 = tpu.memref_slice %arg7[%scan3A_34, %dma_wait3A] : memref<25x80xi32, #tpu.memory_space<vmem>> -> memref<1x80xi32, #tpu.memory_space<vmem>>
        %dma_wait3A_41 = tpu.memref_squeeze %dma_wait3A_40 : memref<1x80xi32, #tpu.memory_space<vmem>> -> memref<80xi32, #tpu.memory_space<vmem>>
        %dma_wait3A_42 = arith.constant 0 : i32
        %dma_wait3A_43 = arith.constant 0 : i32
        %dma_wait3A_44 = tpu.memref_slice %arg2[%dma_wait3A_42, %dma_wait3A_43] : memref<10240x128xf32, #tpu.memory_space<hbm>> -> memref<10240x128xf32, #tpu.memory_space<hbm>>
        tpu.wait_indirect_dma semaphore(%arg10 : memref<!tpu.dma_semaphore, #tpu.memory_space<semaphore_mem>>) src(%dma_wait3A_44 : memref<10240x128xf32, #tpu.memory_space<hbm>>) dst(%arg9 : memref<80x128xf32, #tpu.memory_space<vmem>>)
        "tpu.region"() ({
          %run_scoped3A = tpu.sem_alloc : memref<!tpu.dma_semaphore, #tpu.memory_space<semaphore_mem>>
          %dma_start3A_45 = arith.constant 0 : i32
          %dma_start3A_46 = tpu.memref_slice %arg8[%scan3A_34, %dma_start3A_45] : memref<25x80xi32, #tpu.memory_space<vmem>> -> memref<1x80xi32, #tpu.memory_space<vmem>>
          %dma_start3A_47 = tpu.memref_squeeze %dma_start3A_46 : memref<1x80xi32, #tpu.memory_space<vmem>> -> memref<80xi32, #tpu.memory_space<vmem>>
          %dma_start3A_48 = arith.constant 0 : i32
          %dma_start3A_49 = arith.constant 0 : i32
          %dma_start3A_50 = tpu.memref_slice %arg6[%dma_start3A_48, %dma_start3A_49] : memref<10240x128xf32, #tpu.memory_space<vmem_shared>> -> memref<10240x128xf32, #tpu.memory_space<vmem_shared>>
          tpu.enqueue_indirect_dma source(%arg9 : memref<80x128xf32, #tpu.memory_space<vmem>>) target(%dma_start3A_50 : memref<10240x128xf32, #tpu.memory_space<vmem_shared>>) offsets(%dma_start3A_47 : memref<80xi32, #tpu.memory_space<vmem>>) semaphore(%run_scoped3A : memref<!tpu.dma_semaphore, #tpu.memory_space<semaphore_mem>>) {add = true}
          %dma_wait3A_51 = arith.constant 0 : i32
          %dma_wait3A_52 = tpu.memref_slice %arg8[%scan3A_34, %dma_wait3A_51] : memref<25x80xi32, #tpu.memory_space<vmem>> -> memref<1x80xi32, #tpu.memory_space<vmem>>
          %dma_wait3A_53 = tpu.memref_squeeze %dma_wait3A_52 : memref<1x80xi32, #tpu.memory_space<vmem>> -> memref<80xi32, #tpu.memory_space<vmem>>
          %dma_wait3A_54 = arith.constant 0 : i32
          %dma_wait3A_55 = arith.constant 0 : i32
          %dma_wait3A_56 = tpu.memref_slice %arg6[%dma_wait3A_54, %dma_wait3A_55] : memref<10240x128xf32, #tpu.memory_space<vmem_shared>> -> memref<10240x128xf32, #tpu.memory_space<vmem_shared>>
          tpu.wait_indirect_dma semaphore(%run_scoped3A : memref<!tpu.dma_semaphore, #tpu.memory_space<semaphore_mem>>) src(%arg9 : memref<80x128xf32, #tpu.memory_space<vmem>>) dst(%dma_wait3A_56 : memref<10240x128xf32, #tpu.memory_space<vmem_shared>>)
          tpu.yield
        }) : () -> ()
      }
      %scan3A_33 = arith.constant 25 : i32
    }
    %scan3A_19 = arith.constant 5 : i32
    %barrier3A_20 = arith.constant 0 : index
    tpu.barrier barrier_id(%barrier3A_20)
    %scan3A_21 = arith.constant 0 : i32
    %scan3A_22 = arith.constant 0 : i32
    %scan3A_23 = arith.constant 8 : i32
    %scan3A_24 = arith.addi %scan3A_22, %scan3A_23 : i32
    %scan3A_25 = arith.constant 1 : i32
    scf.for %scan3A_27 = %scan3A_22 to %scan3A_24 step %scan3A_25  : i32 {
      %mul3A_28 = arith.constant 80 : i32
      %mul3A_29 = arith.muli %scan3A_27, %mul3A_28 : i32
      %add3A_30 = arith.addi %mul3A_2, %mul3A_29 : i32
      "tpu.region"() ({
        %run_scoped3A = tpu.sem_alloc : memref<!tpu.dma_semaphore, #tpu.memory_space<semaphore_mem>>
        %dma_start3A = arith.constant 0 : i32
        %dma_start3A_31 = tpu.memref_slice %arg5[%arg0, %add3A_30, %dma_start3A] : memref<2x10240x128xf32, #tpu.memory_space<hbm>> -> memref<1x80x128xf32, #tpu.memory_space<hbm>>
        %dma_start3A_32 = tpu.memref_squeeze %dma_start3A_31 : memref<1x80x128xf32, #tpu.memory_space<hbm>> -> memref<80x128xf32, #tpu.memory_space<hbm>>
        %dma_start3A_33 = arith.constant 0 : i32
        %dma_start3A_34 = tpu.memref_slice %arg6[%add3A_30, %dma_start3A_33] : memref<10240x128xf32, #tpu.memory_space<vmem_shared>> -> memref<80x128xf32, #tpu.memory_space<vmem_shared>>
        tpu.enqueue_dma source(%dma_start3A_34 : memref<80x128xf32, #tpu.memory_space<vmem_shared>>) target(%dma_start3A_32 : memref<80x128xf32, #tpu.memory_space<hbm>>) target_semaphore(%run_scoped3A : memref<!tpu.dma_semaphore, #tpu.memory_space<semaphore_mem>>)
        %dma_wait3A = arith.constant 0 : i32
        %dma_wait3A_35 = tpu.memref_slice %arg5[%arg0, %add3A_30, %dma_wait3A] : memref<2x10240x128xf32, #tpu.memory_space<hbm>> -> memref<1x80x128xf32, #tpu.memory_space<hbm>>
        %dma_wait3A_36 = tpu.memref_squeeze %dma_wait3A_35 : memref<1x80x128xf32, #tpu.memory_space<hbm>> -> memref<80x128xf32, #tpu.memory_space<hbm>>
        %dma_wait3A_37 = arith.constant 0 : i32
        %dma_wait3A_38 = tpu.memref_slice %arg6[%add3A_30, %dma_wait3A_37] : memref<10240x128xf32, #tpu.memory_space<vmem_shared>> -> memref<80x128xf32, #tpu.memory_space<vmem_shared>>
        tpu.wait_dma2 semaphore(%run_scoped3A : memref<!tpu.dma_semaphore, #tpu.memory_space<semaphore_mem>>) src(%dma_wait3A_38 : memref<80x128xf32, #tpu.memory_space<vmem_shared>>) dst(%dma_wait3A_36 : memref<80x128xf32, #tpu.memory_space<hbm>>)
        tpu.yield
      }) : () -> ()
    }
    %scan3A_26 = arith.constant 8 : i32
    return
  }
}

module attributes {stable_mosaic.version = 14 : i64} {
  func.func @_layer_body(%arg0: i32, %arg1: memref<512x128xf32, #tpu.memory_space<vmem>>, %arg2: memref<512x128xf32, #tpu.memory_space<vmem>>, %arg3: memref<512x128xf32, #tpu.memory_space<vmem>>, %arg4: memref<512x16xf32, #tpu.memory_space<vmem>>, %arg5: memref<512x16xf32, #tpu.memory_space<vmem>>, %arg6: memref<128x128xf32, #tpu.memory_space<vmem>>, %arg7: memref<1x128xf32, #tpu.memory_space<vmem>>, %arg8: memref<512x128xf32, #tpu.memory_space<vmem>>) attributes {dimension_semantics = [#tpu.dimension_semantics<arbitrary>], iteration_bounds = array<i64: 20>, scalar_prefetch = 0 : i64, scratch_operands = 0 : i64, tpu.core_type = #tpu.core_type<tc>, window_params = [{transform_indices = @transform_0, window_bounds = array<i64: 512, 128>}, {transform_indices = @transform_1, window_bounds = array<i64: 512, 128>}, {transform_indices = @transform_2, window_bounds = array<i64: 512, 128>}, {transform_indices = @transform_3, window_bounds = array<i64: 512, 16>}, {transform_indices = @transform_4, window_bounds = array<i64: 512, 16>}, {pipeline_mode = #tpu.pipeline_mode<synchronous>, transform_indices = @transform_5, window_bounds = array<i64: 128, 128>}, {pipeline_mode = #tpu.pipeline_mode<synchronous>, transform_indices = @transform_6, window_bounds = array<i64: 1, 128>}, {transform_indices = @transform_7, window_bounds = array<i64: 512, 128>}]} {
    %get3A = arith.constant 0 : index
    %get3A_0 = arith.constant 0 : index
    %get3A_1 = vector.load %arg4[%get3A, %get3A_0] : memref<512x16xf32, #tpu.memory_space<vmem>>, vector<512x16xf32>
    %get3A_2 = arith.constant 0 : index
    %get3A_3 = arith.constant 0 : index
    %get3A_4 = vector.load %arg5[%get3A_2, %get3A_3] : memref<512x16xf32, #tpu.memory_space<vmem>>, vector<512x16xf32>
    %slice3A = vector.extract_strided_slice %get3A_1 {offsets = [0, 0], sizes = [512, 1], strides = [1, 1]} : vector<512x16xf32> to vector<512x1xf32>
    %slice3A_5 = vector.extract_strided_slice %get3A_4 {offsets = [0, 0], sizes = [512, 1], strides = [1, 1]} : vector<512x16xf32> to vector<512x1xf32>
    %add3A = arith.addf %slice3A, %slice3A_5 : vector<512x1xf32>
    %gt3A = arith.constant 0.000000e+00 : f32
    %gt3A_6 = vector.broadcast %gt3A : f32 to vector<512x1xf32>
    %gt3A_7 = arith.cmpf ogt, %add3A, %gt3A_6 : vector<512x1xf32>
    %max3A = arith.constant 1.000000e+00 : f32
    %max3A_8 = vector.broadcast %max3A : f32 to vector<512x1xf32>
    %max3A_9 = arith.maximumf %add3A, %max3A_8 : vector<512x1xf32>
    %div3A = arith.constant 1.000000e+00 : f32
    %div3A_10 = vector.broadcast %div3A : f32 to vector<512x1xf32>
    %div3A_11 = arith.divf %div3A_10, %max3A_9 : vector<512x1xf32>
    %jit3A = arith.constant 0.000000e+00 : f32
    %broadcast_in_dim3A = vector.broadcast %jit3A : f32 to vector<512x1xf32>
    %select_n3A = arith.select %gt3A_7, %div3A_11, %broadcast_in_dim3A : vector<512x1xi1>, vector<512x1xf32>
    %get3A_12 = arith.constant 0 : index
    %get3A_13 = arith.constant 0 : index
    %get3A_14 = vector.load %arg1[%get3A_12, %get3A_13] : memref<512x128xf32, #tpu.memory_space<vmem>>, vector<512x128xf32>
    %get3A_15 = arith.constant 0 : index
    %get3A_16 = arith.constant 0 : index
    %get3A_17 = vector.load %arg2[%get3A_15, %get3A_16] : memref<512x128xf32, #tpu.memory_space<vmem>>, vector<512x128xf32>
    %get3A_18 = arith.constant 0 : index
    %get3A_19 = arith.constant 0 : index
    %get3A_20 = vector.load %arg3[%get3A_18, %get3A_19] : memref<512x128xf32, #tpu.memory_space<vmem>>, vector<512x128xf32>
    %add3A_21 = arith.addf %get3A_17, %get3A_20 : vector<512x128xf32>
    %mul3A = vector.broadcast %select_n3A : vector<512x1xf32> to vector<512x128xf32>
    %mul3A_22 = arith.mulf %add3A_21, %mul3A : vector<512x128xf32>
    %add3A_23 = arith.addf %get3A_14, %mul3A_22 : vector<512x128xf32>
    %get3A_24 = arith.constant 0 : index
    %get3A_25 = arith.constant 0 : index
    %get3A_26 = vector.load %arg6[%get3A_24, %get3A_25] : memref<128x128xf32, #tpu.memory_space<vmem>>, vector<128x128xf32>
    %dot_general3A = arith.constant dense<0.000000e+00> : vector<512x128xf32>
    %dot_general3A_27 = tpu.matmul %add3A_23, %get3A_26, %dot_general3A {dimension_numbers = #tpu.dot_dimension_numbers<[1], [0], [0], [1], [0, 0, 1, 1], [], []>, transpose_lhs_hint = false} : vector<512x128xf32>, vector<128x128xf32>, vector<512x128xf32> -> vector<512x128xf32>
    %get3A_28 = arith.constant 0 : index
    %get3A_29 = arith.constant 0 : index
    %get3A_30 = vector.load %arg7[%get3A_28, %get3A_29] : memref<1x128xf32, #tpu.memory_space<vmem>>, vector<1x128xf32>
    %add3A_31 = vector.broadcast %get3A_30 : vector<1x128xf32> to vector<512x128xf32>
    %add3A_32 = arith.addf %dot_general3A_27, %add3A_31 : vector<512x128xf32>
    %max3A_33 = arith.constant 0.000000e+00 : f32
    %max3A_34 = vector.broadcast %max3A_33 : f32 to vector<512x128xf32>
    %max3A_35 = arith.maximumf %add3A_32, %max3A_34 : vector<512x128xf32>
    %swap3A = arith.constant 0 : index
    %swap3A_36 = arith.constant 0 : index
    %swap3A_37 = vector.load %arg8[%swap3A, %swap3A_36] : memref<512x128xf32, #tpu.memory_space<vmem>>, vector<512x128xf32>
    tpu.vector_store %arg8[%swap3A, %swap3A_36], %max3A_35 {strides = array<i32>} : memref<512x128xf32, #tpu.memory_space<vmem>>, vector<512x128xf32>,
    return
  }
  func.func @transform_0(%arg0: i32) -> (i32, i32) {
    %c0_i32 = arith.constant 0 : i32
    %c0_i32_0 = arith.constant 0 : i32
    return %arg0, %c0_i32 : i32, i32
  }
  func.func @transform_1(%arg0: i32) -> (i32, i32) {
    %c0_i32 = arith.constant 0 : i32
    %c0_i32_0 = arith.constant 0 : i32
    return %arg0, %c0_i32 : i32, i32
  }
  func.func @transform_2(%arg0: i32) -> (i32, i32) {
    %c0_i32 = arith.constant 0 : i32
    %c0_i32_0 = arith.constant 0 : i32
    return %arg0, %c0_i32 : i32, i32
  }
  func.func @transform_3(%arg0: i32) -> (i32, i32) {
    %c0_i32 = arith.constant 0 : i32
    %c0_i32_0 = arith.constant 0 : i32
    return %arg0, %c0_i32 : i32, i32
  }
  func.func @transform_4(%arg0: i32) -> (i32, i32) {
    %c0_i32 = arith.constant 0 : i32
    %c0_i32_0 = arith.constant 0 : i32
    return %arg0, %c0_i32 : i32, i32
  }
  func.func @transform_5(%arg0: i32) -> (i32, i32) {
    %c0_i32 = arith.constant 0 : i32
    %c0_i32_0 = arith.constant 0 : i32
    %c0_i32_1 = arith.constant 0 : i32
    return %c0_i32, %c0_i32_0 : i32, i32
  }
  func.func @transform_6(%arg0: i32) -> (i32, i32) {
    %c0_i32 = arith.constant 0 : i32
    %c0_i32_0 = arith.constant 0 : i32
    %c0_i32_1 = arith.constant 0 : i32
    return %c0_i32, %c0_i32_0 : i32, i32
  }
  func.func @transform_7(%arg0: i32) -> (i32, i32) {
    %c0_i32 = arith.constant 0 : i32
    %c0_i32_0 = arith.constant 0 : i32
    return %arg0, %c0_i32 : i32, i32
  }
}

module attributes {stable_mosaic.version = 14 : i64} {
  func.func @_final_body(%arg0: i32, %arg1: memref<512x128xf32, #tpu.memory_space<vmem>>, %arg2: memref<512x128xf32, #tpu.memory_space<vmem>>, %arg3: memref<512x128xf32, #tpu.memory_space<vmem>>, %arg4: memref<512x16xf32, #tpu.memory_space<vmem>>, %arg5: memref<512x16xf32, #tpu.memory_space<vmem>>, %arg6: memref<128x128xf32, #tpu.memory_space<vmem>>, %arg7: memref<1x128xf32, #tpu.memory_space<vmem>>, %arg8: memref<128x64xf32, #tpu.memory_space<vmem>>, %arg9: memref<1x64xf32, #tpu.memory_space<vmem>>, %arg10: memref<1x64xf32, #tpu.memory_space<vmem>>, %arg11: memref<8x128xf32, #tpu.memory_space<vmem>>) attributes {dimension_semantics = [#tpu.dimension_semantics<arbitrary>], iteration_bounds = array<i64: 20>, scalar_prefetch = 0 : i64, scratch_operands = 1 : i64, tpu.core_type = #tpu.core_type<tc>, window_params = [{transform_indices = @transform_0, window_bounds = array<i64: 512, 128>}, {transform_indices = @transform_1, window_bounds = array<i64: 512, 128>}, {transform_indices = @transform_2, window_bounds = array<i64: 512, 128>}, {transform_indices = @transform_3, window_bounds = array<i64: 512, 16>}, {transform_indices = @transform_4, window_bounds = array<i64: 512, 16>}, {pipeline_mode = #tpu.pipeline_mode<synchronous>, transform_indices = @transform_5, window_bounds = array<i64: 128, 128>}, {pipeline_mode = #tpu.pipeline_mode<synchronous>, transform_indices = @transform_6, window_bounds = array<i64: 1, 128>}, {pipeline_mode = #tpu.pipeline_mode<synchronous>, transform_indices = @transform_7, window_bounds = array<i64: 128, 64>}, {pipeline_mode = #tpu.pipeline_mode<synchronous>, transform_indices = @transform_8, window_bounds = array<i64: 1, 64>}, {pipeline_mode = #tpu.pipeline_mode<synchronous>, transform_indices = @transform_9, window_bounds = array<i64: 1, 64>}]} {
    %get3A = arith.constant 0 : index
    %get3A_0 = arith.constant 0 : index
    %get3A_1 = vector.load %arg4[%get3A, %get3A_0] : memref<512x16xf32, #tpu.memory_space<vmem>>, vector<512x16xf32>
    %get3A_2 = arith.constant 0 : index
    %get3A_3 = arith.constant 0 : index
    %get3A_4 = vector.load %arg5[%get3A_2, %get3A_3] : memref<512x16xf32, #tpu.memory_space<vmem>>, vector<512x16xf32>
    %slice3A = vector.extract_strided_slice %get3A_1 {offsets = [0, 0], sizes = [512, 1], strides = [1, 1]} : vector<512x16xf32> to vector<512x1xf32>
    %slice3A_5 = vector.extract_strided_slice %get3A_4 {offsets = [0, 0], sizes = [512, 1], strides = [1, 1]} : vector<512x16xf32> to vector<512x1xf32>
    %add3A = arith.addf %slice3A, %slice3A_5 : vector<512x1xf32>
    %gt3A = arith.constant 0.000000e+00 : f32
    %gt3A_6 = vector.broadcast %gt3A : f32 to vector<512x1xf32>
    %gt3A_7 = arith.cmpf ogt, %add3A, %gt3A_6 : vector<512x1xf32>
    %max3A = arith.constant 1.000000e+00 : f32
    %max3A_8 = vector.broadcast %max3A : f32 to vector<512x1xf32>
    %max3A_9 = arith.maximumf %add3A, %max3A_8 : vector<512x1xf32>
    %div3A = arith.constant 1.000000e+00 : f32
    %div3A_10 = vector.broadcast %div3A : f32 to vector<512x1xf32>
    %div3A_11 = arith.divf %div3A_10, %max3A_9 : vector<512x1xf32>
    %jit3A = arith.constant 0.000000e+00 : f32
    %broadcast_in_dim3A = vector.broadcast %jit3A : f32 to vector<512x1xf32>
    %select_n3A = arith.select %gt3A_7, %div3A_11, %broadcast_in_dim3A : vector<512x1xi1>, vector<512x1xf32>
    %get3A_12 = arith.constant 0 : index
    %get3A_13 = arith.constant 0 : index
    %get3A_14 = vector.load %arg1[%get3A_12, %get3A_13] : memref<512x128xf32, #tpu.memory_space<vmem>>, vector<512x128xf32>
    %get3A_15 = arith.constant 0 : index
    %get3A_16 = arith.constant 0 : index
    %get3A_17 = vector.load %arg2[%get3A_15, %get3A_16] : memref<512x128xf32, #tpu.memory_space<vmem>>, vector<512x128xf32>
    %get3A_18 = arith.constant 0 : index
    %get3A_19 = arith.constant 0 : index
    %get3A_20 = vector.load %arg3[%get3A_18, %get3A_19] : memref<512x128xf32, #tpu.memory_space<vmem>>, vector<512x128xf32>
    %add3A_21 = arith.addf %get3A_17, %get3A_20 : vector<512x128xf32>
    %mul3A = vector.broadcast %select_n3A : vector<512x1xf32> to vector<512x128xf32>
    %mul3A_22 = arith.mulf %add3A_21, %mul3A : vector<512x128xf32>
    %add3A_23 = arith.addf %get3A_14, %mul3A_22 : vector<512x128xf32>
    %get3A_24 = arith.constant 0 : index
    %get3A_25 = arith.constant 0 : index
    %get3A_26 = vector.load %arg6[%get3A_24, %get3A_25] : memref<128x128xf32, #tpu.memory_space<vmem>>, vector<128x128xf32>
    %dot_general3A = arith.constant dense<0.000000e+00> : vector<512x128xf32>
    %dot_general3A_27 = tpu.matmul %add3A_23, %get3A_26, %dot_general3A {dimension_numbers = #tpu.dot_dimension_numbers<[1], [0], [0], [1], [0, 0, 1, 1], [], []>, transpose_lhs_hint = false} : vector<512x128xf32>, vector<128x128xf32>, vector<512x128xf32> -> vector<512x128xf32>
    %get3A_28 = arith.constant 0 : index
    %get3A_29 = arith.constant 0 : index
    %get3A_30 = vector.load %arg7[%get3A_28, %get3A_29] : memref<1x128xf32, #tpu.memory_space<vmem>>, vector<1x128xf32>
    %add3A_31 = vector.broadcast %get3A_30 : vector<1x128xf32> to vector<512x128xf32>
    %add3A_32 = arith.addf %dot_general3A_27, %add3A_31 : vector<512x128xf32>
    %mul3A_33 = arith.constant 512 : i32
    %mul3A_34 = arith.muli %arg0, %mul3A_33 : i32
    %iota3A = tpu.iota {dimensions = array<i32: 0>} : vector<512x128xi32>
    %add3A_35 = vector.broadcast %mul3A_34 : i32 to vector<512x128xi32>
    %add3A_36 = arith.addi %add3A_35, %iota3A : vector<512x128xi32>
    %lt3A = arith.constant 10000 : i32
    %lt3A_37 = vector.broadcast %lt3A : i32 to vector<512x128xi32>
    %lt3A_38 = arith.cmpi slt, %add3A_36, %lt3A_37 : vector<512x128xi32>
    %jit3A_39 = arith.constant -1.000000e+30 : f32
    %broadcast_in_dim3A_40 = vector.broadcast %jit3A_39 : f32 to vector<512x128xf32>
    %select_n3A_41 = arith.select %lt3A_38, %add3A_32, %broadcast_in_dim3A_40 : vector<512x128xi1>, vector<512x128xf32>
    %reduce_max3A = arith.constant dense<0xFF800000> : vector<128xf32>
    %reduce_max3A_42 = vector.multi_reduction <maximumf>, %select_n3A_41, %reduce_max3A [0] : vector<512x128xf32> to vector<128xf32>
    %broadcast_in_dim3A_43 = vector.shape_cast %reduce_max3A_42 : vector<128xf32> to vector<1x128xf32>
    %eq3A = arith.constant 0 : i32
    %eq3A_44 = arith.cmpi eq, %arg0, %eq3A : i32
    %convert_element_type3A = arith.extui %eq3A_44 : i1 to i32
    %cond3A = arith.constant 0 : i32
    %cond3A_45 = arith.cmpi ne, %convert_element_type3A, %cond3A : i32
    scf.if %cond3A_45 {
      %swap3A = arith.constant 0 : index
      %swap3A_56 = arith.constant 0 : index
      %swap3A_57 = vector.load %arg11[%swap3A, %swap3A_56] : memref<8x128xf32, #tpu.memory_space<vmem>>, vector<1x128xf32>
      tpu.vector_store %arg11[%swap3A, %swap3A_56], %broadcast_in_dim3A_43 {strides = array<i32>} : memref<8x128xf32, #tpu.memory_space<vmem>>, vector<1x128xf32>,
    } else {
    }
    %gt3A_46 = arith.constant 0 : i32
    %gt3A_47 = arith.cmpi sgt, %arg0, %gt3A_46 : i32
    %convert_element_type3A_48 = arith.extui %gt3A_47 : i1 to i32
    %cond3A_49 = arith.constant 0 : i32
    %cond3A_50 = arith.cmpi ne, %convert_element_type3A_48, %cond3A_49 : i32
    scf.if %cond3A_50 {
      %get3A_56 = arith.constant 0 : index
      %get3A_57 = arith.constant 0 : index
      %get3A_58 = vector.load %arg11[%get3A_56, %get3A_57] : memref<8x128xf32, #tpu.memory_space<vmem>>, vector<1x128xf32>
      %max3A_59 = arith.maximumf %get3A_58, %broadcast_in_dim3A_43 : vector<1x128xf32>
      %swap3A = arith.constant 0 : index
      %swap3A_60 = arith.constant 0 : index
      %swap3A_61 = vector.load %arg11[%swap3A, %swap3A_60] : memref<8x128xf32, #tpu.memory_space<vmem>>, vector<1x128xf32>
      tpu.vector_store %arg11[%swap3A, %swap3A_60], %max3A_59 {strides = array<i32>} : memref<8x128xf32, #tpu.memory_space<vmem>>, vector<1x128xf32>,
    } else {
    }
    %eq3A_51 = arith.constant 19 : i32
    %eq3A_52 = arith.cmpi eq, %arg0, %eq3A_51 : i32
    %convert_element_type3A_53 = arith.extui %eq3A_52 : i1 to i32
    %cond3A_54 = arith.constant 0 : i32
    %cond3A_55 = arith.cmpi ne, %convert_element_type3A_53, %cond3A_54 : i32
    scf.if %cond3A_55 {
      %get3A_56 = arith.constant 0 : index
      %get3A_57 = arith.constant 0 : index
      %get3A_58 = vector.load %arg11[%get3A_56, %get3A_57] : memref<8x128xf32, #tpu.memory_space<vmem>>, vector<1x128xf32>
      %get3A_59 = arith.constant 0 : index
      %get3A_60 = arith.constant 0 : index
      %get3A_61 = vector.load %arg8[%get3A_59, %get3A_60] : memref<128x64xf32, #tpu.memory_space<vmem>>, vector<128x64xf32>
      %dot_general3A_62 = arith.constant dense<0.000000e+00> : vector<1x64xf32>
      %dot_general3A_63 = tpu.matmul %get3A_58, %get3A_61, %dot_general3A_62 {dimension_numbers = #tpu.dot_dimension_numbers<[1], [0], [0], [1], [0, 0, 1, 1], [], []>, transpose_lhs_hint = false} : vector<1x128xf32>, vector<128x64xf32>, vector<1x64xf32> -> vector<1x64xf32>
      %get3A_64 = arith.constant 0 : index
      %get3A_65 = arith.constant 0 : index
      %get3A_66 = vector.load %arg9[%get3A_64, %get3A_65] : memref<1x64xf32, #tpu.memory_space<vmem>>, vector<1x64xf32>
      %add3A_67 = arith.addf %dot_general3A_63, %get3A_66 : vector<1x64xf32>
      %swap3A = arith.constant 0 : index
      %swap3A_68 = arith.constant 0 : index
      %swap3A_69 = vector.load %arg10[%swap3A, %swap3A_68] : memref<1x64xf32, #tpu.memory_space<vmem>>, vector<1x64xf32>
      tpu.vector_store %arg10[%swap3A, %swap3A_68], %add3A_67 {strides = array<i32>} : memref<1x64xf32, #tpu.memory_space<vmem>>, vector<1x64xf32>,
    } else {
    }
    return
  }
  func.func @transform_0(%arg0: i32) -> (i32, i32) {
    %c0_i32 = arith.constant 0 : i32
    %c0_i32_0 = arith.constant 0 : i32
    return %arg0, %c0_i32 : i32, i32
  }
  func.func @transform_1(%arg0: i32) -> (i32, i32) {
    %c0_i32 = arith.constant 0 : i32
    %c0_i32_0 = arith.constant 0 : i32
    return %arg0, %c0_i32 : i32, i32
  }
  func.func @transform_2(%arg0: i32) -> (i32, i32) {
    %c0_i32 = arith.constant 0 : i32
    %c0_i32_0 = arith.constant 0 : i32
    return %arg0, %c0_i32 : i32, i32
  }
  func.func @transform_3(%arg0: i32) -> (i32, i32) {
    %c0_i32 = arith.constant 0 : i32
    %c0_i32_0 = arith.constant 0 : i32
    return %arg0, %c0_i32 : i32, i32
  }
  func.func @transform_4(%arg0: i32) -> (i32, i32) {
    %c0_i32 = arith.constant 0 : i32
    %c0_i32_0 = arith.constant 0 : i32
    return %arg0, %c0_i32 : i32, i32
  }
  func.func @transform_5(%arg0: i32) -> (i32, i32) {
    %c0_i32 = arith.constant 0 : i32
    %c0_i32_0 = arith.constant 0 : i32
    %c0_i32_1 = arith.constant 0 : i32
    return %c0_i32, %c0_i32_0 : i32, i32
  }
  func.func @transform_6(%arg0: i32) -> (i32, i32) {
    %c0_i32 = arith.constant 0 : i32
    %c0_i32_0 = arith.constant 0 : i32
    %c0_i32_1 = arith.constant 0 : i32
    return %c0_i32, %c0_i32_0 : i32, i32
  }
  func.func @transform_7(%arg0: i32) -> (i32, i32) {
    %c0_i32 = arith.constant 0 : i32
    %c0_i32_0 = arith.constant 0 : i32
    %c0_i32_1 = arith.constant 0 : i32
    return %c0_i32, %c0_i32_0 : i32, i32
  }
  func.func @transform_8(%arg0: i32) -> (i32, i32) {
    %c0_i32 = arith.constant 0 : i32
    %c0_i32_0 = arith.constant 0 : i32
    %c0_i32_1 = arith.constant 0 : i32
    return %c0_i32, %c0_i32_0 : i32, i32
  }
  func.func @transform_9(%arg0: i32) -> (i32, i32) {
    %c0_i32 = arith.constant 0 : i32
    %c0_i32_0 = arith.constant 0 : i32
    %c0_i32_1 = arith.constant 0 : i32
    return %c0_i32, %c0_i32_0 : i32, i32
  }
}

</mosaic_0001>

<sc_bundles>
// kernel: kernel.6.cloned.1.call-start
scs
__scs_entry_jumppad:
0x0: {  	(pc) =	sbr.rel $0x88, $3  }
0x1: {  	(tag) =	ssettag $0x0;
	lr =	simm.s32 $0x1  }
0x2: {  	[smem:$0x3F99] =	sst lr;
	_ =	strace $0xD0000000  }
0x3: {  	_ = 	snop  }
0x4: {  	_ = 	snop  }
0x5: {  	_ = 	snop  }
0x6: {  	_ = 	snop  }
0x7: {  	_ = 	snop  }
__scs_overlays_trampoline_lowered:
0x8: {  	[smem:$0x3FA8] =	sst s0  }
0x9: {  	[smem:$0x3FA9] =	sst s1  }
0xa: {  	[smem:$0x3FAA] =	sst s2  }
0xb: {  	[smem:$0x3FAB] =	sst s3  }
0xc: {  	[smem:$0x3FAC] =	sst s4  }
0xd: {  	[smem:$0x3FAD] =	sst s5  }
0xe: {  	[smem:$0x3FAE] =	sst s6  }
0xf: {  	[smem:$0x3FAF] =	sst s7  }
0x10: {  	[smem:$0x3FB0] =	sst s8  }
0x11: {  	[smem:$0x3FB1] =	sst s9;
	s0 =	simm.s32 @!p0 $0x0  }
0x12: {  	s1 =	sld [smem:$0x3F97];
	s0 =	simm.s32 @p0 $0x1  }
0x13: {  	[smem:$0x3FB2] =	sst s0;
	s0 =	simm.s32 @!p1 $0x0  }
0x14: {  	s2 =	sld [smem:$0x3F96];
	s0 =	simm.s32 @p1 $0x1  }
0x15: {  	[smem:$0x3FB3] =	sst s0;
	s0 =	simm.s32 @!p2 $0x0  }
0x16: {  	s3 =	sld [smem:$0x3FDB];
	s0 =	simm.s32 @p2 $0x1  }
0x17: {  	s4 =	simm.s32 $0x1BF5;
	[smem:$0x3FB5] =	sst s0  }
0x18: {  	s0 =	sld [smem:$0x3F98];
	_ =	swait.ge [sflag:s4], $0x0  }
0x19: {  	s7 =	sld [smem:$0x3F99]  }
0x1a: {  	s8 =	sadd.s32 $0xFFFFE003, lr  }
0x1b: {  	s9 =	sadd.s32 $0xFFFFFEF7, lr;
	s5 =	simm.s32 $0xFFFFFFFF;
	p2 =	slt.u32 s8, $0xFFFFF086  }
0x1c: {  	p1 =	slt.u32 s9, $0xF7A;
	s5 =	simm.s32 @!p2 $0x0  }
0x1d: {  	s5 =	simm.s32 @p1 $0x1;
	p0 =	seq.s32 s7, s2  }
0x1e: {  	s7 =	smul.u32 @!p0 $0xF7A, s2;
	p2 =	seq.s32 @!p0 s5, $0x0  }
0x1f: {  	s9 =	smul.u32 $0xF7A, s1;
	s8 =	simm.s32 @!p0 $0x1BF5;
	p2 =	por !p2, p0  }
0x20: {  	[sflag:s8] =	ssyncset.s32 @!p0 $0xFFFFF086;
	s6 =	sadd.s32 @!p0 s3, s7;
	s7 =	simm.s32 @!p0 $0x108  }
0x21: {  	s3 =	sadd.s32 s3, s9;
	s6 =	sadd.s32 @!p0 $0x88, s6;
	s7 =	simm.s32 @p2 $0x1082  }
0x22: {  	[simem:s7], [sflag:s8] =	dma.local @!p0 [hbm:s6], $0xF7A  }
0x23: {  	s9 =	sor.u32 $0xD0000000, s2;
	s6 =	simm.s32 $0x108;
	_ =	swait.ge @!p0 [sflag:s8], $0x0  }
0x24: {  	s3 =	sadd.s32 $0x88, s3;
	s6 =	simm.s32 @!p1 $0x1082;
	[sflag:s4] =	ssyncset.s32 $0xFFFFF086  }
0x25: {  	[simem:s6], [sflag:s4] =	dma.local [hbm:s3], $0xF7A  }
0x26: {  	[smem:$0x3F99] =	sst s1;
	(tag) =	ssettag s2;
	_ =	strace s9  }
0x27: {  	s1 =	sld [smem:$0x3FA9]  }
0x28: {  	s2 =	sld [smem:$0x3FAA]  }
0x29: {  	s4 =	sld [smem:$0x3FAC]  }
0x2a: {  	p0 =	seq.s32 s5, $0x0;
	s5 =	sld [smem:$0x3FAD]  }
0x2b: {  	s6 =	sld [smem:$0x3FAE]  }
0x2c: {  	s7 =	sld [smem:$0x3FAF]  }
0x2d: {  	s3 =	simm.s32 $0x108;
	s8 =	sld [smem:$0x3FB0]  }
0x2e: {  	s3 =	simm.s32 @!p0 $0x1082;
	s9 =	sld [smem:$0x3FB1]  }
0x2f: {  	lr =	sadd.s32 s0, s3;
	s0 =	sld [smem:$0x3FA8]  }
0x30: {  	s3 =	sld [smem:$0x3FAB]  }
0x31: {  	[smem:$0x3FB4] =	sst s10  }
0x32: {  	s10 =	sld [smem:$0x3FB2];
	_ =	sdelay $0x3  }
0x33: {  	p0 =	seq.s32 s10, $0x1;
	s10 =	sld [smem:$0x3FB4];
	_ =	sdelay $0x3  }
0x34: {  	[smem:$0x3FB4] =	sst s10  }
0x35: {  	s10 =	sld [smem:$0x3FB3];
	_ =	sdelay $0x3  }
0x36: {  	p1 =	seq.s32 s10, $0x1;
	s10 =	sld [smem:$0x3FB4];
	_ =	sdelay $0x3  }
0x37: {  	[smem:$0x3FB4] =	sst s10  }
0x38: {  	s10 =	sld [smem:$0x3FB5]  }
0x39: {  	_ = 	snop;
	(pc) =	sbr.ind lr, $3  }
0x3a: {  	_ = 	snop  }
0x3b: {  	_ = 	snop  }
0x3c: {  	p2 =	seq.s32 s10, $0x1;
	s10 =	sld [smem:$0x3FB4]  }
0x3d: {  	_ =	shalt  }
0x3e: {  	_ =	shalt  }
0x3f: {  	_ =	shalt  }
0x40: {  	_ =	shalt  }
0x41: {  	_ =	shalt  }
0x42: {  	_ =	shalt  }
0x43: {  	_ =	shalt  }
0x44: {  	_ =	shalt  }
0x45: {  	_ =	shalt  }
0x46: {  	_ =	shalt  }
0x47: {  	_ =	shalt  }
0x48: {  	_ =	shalt  }
0x49: {  	_ =	shalt  }
0x4a: {  	_ =	shalt  }
0x4b: {  	_ =	shalt  }
0x4c: {  	_ =	shalt  }
0x4d: {  	_ =	shalt  }
0x4e: {  	_ =	shalt  }
0x4f: {  	_ =	shalt  }
0x50: {  	_ =	shalt  }
0x51: {  	_ =	shalt  }
0x52: {  	_ =	shalt  }
0x53: {  	_ =	shalt  }
0x54: {  	_ =	shalt  }
0x55: {  	_ =	shalt  }
0x56: {  	_ =	shalt  }
0x57: {  	_ =	shalt  }
0x58: {  	_ =	shalt  }
0x59: {  	_ =	shalt  }
0x5a: {  	_ =	shalt  }
0x5b: {  	_ =	shalt  }
0x5c: {  	_ =	shalt  }
0x5d: {  	_ =	shalt  }
0x5e: {  	_ =	shalt  }
0x5f: {  	_ =	shalt  }
0x60: {  	_ =	shalt  }
0x61: {  	_ =	shalt  }
0x62: {  	_ =	shalt  }
0x63: {  	_ =	shalt  }
0x64: {  	_ =	shalt  }
0x65: {  	_ =	shalt  }
0x66: {  	_ =	shalt  }
0x67: {  	_ =	shalt  }
0x68: {  	_ =	shalt  }
0x69: {  	_ =	shalt  }
0x6a: {  	_ =	shalt  }
0x6b: {  	_ =	shalt  }
0x6c: {  	_ =	shalt  }
0x6d: {  	_ =	shalt  }
0x6e: {  	_ =	shalt  }
0x6f: {  	_ =	shalt  }
0x70: {  	_ =	shalt  }
0x71: {  	_ =	shalt  }
0x72: {  	_ =	shalt  }
0x73: {  	_ =	shalt  }
0x74: {  	_ =	shalt  }
0x75: {  	_ =	shalt  }
0x76: {  	_ =	shalt  }
0x77: {  	_ =	shalt  }
0x78: {  	_ =	shalt  }
0x79: {  	_ =	shalt  }
0x7a: {  	_ =	shalt  }
0x7b: {  	_ =	shalt  }
0x7c: {  	_ =	shalt  }
0x7d: {  	_ =	shalt  }
0x7e: {  	_ =	shalt  }
0x7f: {  	_ =	shalt  }
0x80: {  	_ =	shalt  }
0x81: {  	_ =	shalt  }
0x82: {  	_ =	shalt  }
0x83: {  	_ =	shalt  }
0x84: {  	_ =	shalt  }
0x85: {  	_ =	shalt  }
0x86: {  	_ =	shalt  }
0x87: {  	_ =	shalt  }
.Lfunc_end0:
.L_simem_size_0:
called_computation_lowered:
.L_overlay_start_0:
0x88: {  	s2 =	sld [smem:$0x3FD9]  }
0x89: {  	s3 =	sld [smem:$0x3FFE];
	_ =	sdelay $0x1  }
0x8a: {  	s1 =	srdreg.scid  }
0x8b: {  	s0 =	sand.u32 $0x1, s1  }
0x8c: {  	s16 =	sshll.u32 s0, $0xA;
	s2 =	sadd.s32 s3, s2  }
0x8d: {  	s2 =	sadd.s32 s2, s16  }
0x8e: {  	[smem:$0x3FC0] =	sst s2  }
0x8f: {  	_ = 	snop  }
0x90: {  	(tm) =	ssettm $0x1  }
0x91: {  	s17 =	sld [smem:$0x3FFB];
	_ =	sdelay $0x3  }
0x92: {  	_ =	strace s17  }
0x93: {  	s2 =	sld [smem:$0x3FFC];
	_ =	sdelay $0x3  }
0x94: {  	_ =	strace s2  }
0x95: {  	s2 =	sld [smem:$0x3FFD];
	_ =	sdelay $0x3  }
0x96: {  	_ =	strace s2  }
0x97: {  	_ =	strace $0x8FFFFFFF  }
0x98: {  	s18 =	sld [smem:$0x3FDB];
	_ =	sdelay $0x1  }
0x99: {  	s19 =	simm.s32 $_scs_section_size  }
0x9a: {  	s4 =	simm.s32 $_size__tile_overlayer_lowered;
	s5 =	simm.s32 $_tile_overlayer_lowered  }
0x9b: {  	s22 =	simm.s32 $0x1BFF;
	s21 =	sshll.u32 s5, $0x1;
	s2 =	sadd.s32 s19, s18  }
0x9c: {  	s6 =	simm.s32 $0x0;
	s20 =	sshll.u32 s4, $0x1;
	s4 =	sadd.s32 s21, s2  }
0x9d: {  	[timem:s6], [sflag:s22] =	dma.local [hbm:s4], s20  }
0x9e: {  	_ =	swait.ge [sflag:s22], s20  }
0x9f: {  	s3 =	ssub.s32 $0x0, s20;
	[sflag:s22] =	ssyncset.done $0x0  }
0xa0: {  	[sflag:s22] =	ssyncadd.s32 s3;
	_ =	sdelay $0x1  }
0xa1: {  	s23 =	simm.s32 $0x1B8B  }
0xa2: {  	_ =	swait.ge [sflag:s23], $0x1  }
0xa3: {  	[sflag:s23] =	ssyncset.done $0x0  }
0xa4: {  	s25 =	simm.s32 $0x1B8E;
	s24 =	sld [smem:$0x3FFE];
	[sflag:s23] =	ssyncadd.s32 $0xFFFFFFFF  }
0xa5: {  	s26 =	simm.s32 $execute0_lowered;
	[smem:$0x3FD2] =	sst s25  }
0xa6: {  	s4 =	sshll.u32 s26, $0x1;
	_ =	strace $0x80000046;
	[dreg:$0x1] =	wrdreg $0xFFFFFFFF  }
0xa7: {  	s28 =	simm.s32 $_size_execute0_lowered;
	s2 =	sadd.s32 s2, s4;
	[dreg:$0x0] =	wrdreg $0x0  }
0xa8: {  	s4 =	sshll.u32 s28, $0x1;
	[dreg:$0x2] =	wrdreg s2  }
0xa9: {  	[dreg:$0x3] =	wrdreg s4  }
0xaa: {  	[dreg:$0x4] =	wrdreg $0xC0  }
0xab: {  	_ =	task [dreg:s6], $0x5FFFF  }
0xac: {  	[dreg:$0x1] =	wrdreg $0xFFFFFFFF  }
0xad: {  	[dreg:$0x0] =	wrdreg $0x60  }
0xae: {  	[dreg:$0x2] =	wrdreg s24  }
0xaf: {  	[dreg:$0x3] =	wrdreg $0x0  }
0xb0: {  	[dreg:$0x4] =	wrdreg $0x188000  }
0xb1: {  	[dreg:$0x5] =	wrdreg $0x9  }
0xb2: {  	_ =	task.clear_ibuf [dreg:s6], $0x6FFFF;
	_ =	strace $0x90000046  }
0xb3: {  	s29 =	simm.s32 $0x9;
	_ =	strace $0x80000048  }
0xb4: {  	_ =	swait.ge [sflag:s29], $0x1  }
0xb5: {  	[sflag:s29] =	ssyncadd.s32 $0xFFFFFFFF  }
0xb6: {  	_ =	strace $0x90000048  }
0xb7: {  	_ =	sfence  }
0xb8: {  	s30 =	sld [smem:$0x0];
	_ =	sdelay $0x2  }
0xb9: {  	s31 =	sshll.u32 s1, $0xD;
	s1 =	sshrl.u32 s1, $0x2  }
0xba: {  	s3 =	sand.u32 $0x4000, s31;
	s1 =	sadd.s32 s1, s30  }
0xbb: {  	s0 =	sor.u32 s3, s0;
	s1 =	sshll.u32 s1, $0x11  }
0xbc: {  	s0 =	sor.u32 s1, s0  }
0xbd: {  	s0 =	sadd.s32 $0x8F2B, s0  }
0xbe: {  	[sflag:s0] =	ssyncadd.remote.s32 $0x1  }
0xbf: {  	_ =	sfence.sel $0xFFFF  }
0xc0: {  	[dreg:$0x0] =	wrdreg $0xFFFFFFFF;
	(pc) =	sbr.abs _section_cstart, $3  }
0xc1: {  	[dreg:$0x1] =	wrdreg $0xFFFFFFFF  }
0xc2: {  	_ =	task.clear_ibuf [dreg:s6], $0x2FFFF;
	_ =	strace $0x9FFFFFFF  }
0xc3: {  	(tm) =	ssettm $0x7FFFFFFF  }
tec
execute0_lowered:
.L_overlay_start_1:
0x0: {  	(tag) =	ssettag $0x1  }
0x1: {  	s0 =	srdreg.scid  }
0x2: {  	s16 =	stileid.u32;
	s15 =	rddreg [dreg:$0x0]  }
0x3: {  	s4 =	simm.s32 $0x0;
	s1 =	sand.u32 $0x1, s0;
	s0 =	smul.u32 $0x280, s16  }
0x4: {  	s5 =	smul.u32 $0x14000, s16;
	[smem:$0x7FF] =	sst s4  }
0x5: {  	s6 =	sadd.s32 $0x54000, s15;
	s2 =	smul.u32 $0x2800, s1;
	s7 =	ssub.s32 $0x2, s1  }
0x6: {  	s3 =	smul.u32 $0x140000, s1;
	s1 =	sshll.u32 s1, $0x4;
	s8 =	sshrl.u32 s7, $0x1  }
0x7: {  	s11 =	sadd.s32 $0xA0, s0;
	s12 =	sadd.s32 $0xF0, s0;
	s22 =	sadd.s32 $0x140, s0  }
0x8: {  	s26 =	sadd.s32 $0x190, s0;
	s31 =	sadd.s32 $0x1E0, s0;
	s1 =	sor.u32 s16, s1  }
0x9: {  	s2 =	sadd.s32 s0, s2;
	s5 =	sadd.s32 s3, s5;
	s20 =	ssub.s32 s7, s8  }
0xa: {  	s18 =	sshll.u32 s11, $0x7;
	s19 =	sshll.u32 s12, $0x7;
	s24 =	sshll.u32 s22, $0x7  }
0xb: {  	s29 =	sshll.u32 s26, $0x7;
	s14 =	sshrl.u32 s2, $0x3;
	s5 =	sshrl.u32 s5, $0x3  }
0xc: {  	s10 =	sadd.s32 s3, s18;
	s21 =	sadd.s32 s3, s19;
	s23 =	sadd.s32 s3, s24  }
0xd: {  	s5 =	sadd.s32 s6, s5;
	s13 =	sshrl.u32 s10, $0x3;
	s10 =	sshrl.u32 s23, $0x3  }
0xe: {  	s23 =	smul.u32 $0x50000, s16;
	[dreg:$0x4] =	wrdreg s5;
	s5 =	sor.u32 $0x50, s0  }
0xf: {  	s2 =	sadd.s32 $0x230, s0;
	s16 =	smul.u32 $0x5000, s1;
	s9 =	sshll.u32 s5, $0x7  }
0x10: {  	s17 =	sadd.s32 s6, s13;
	s13 =	sadd.s32 s3, s29;
	s7 =	sadd.s32 s3, s9  }
0x11: {  	s4 =	sadd.s32 s6, s10;
	[dreg:$0x6] =	wrdreg s17;
	s8 =	sshrl.u32 s7, $0x3  }
0x12: {  	[dreg:$0x8] =	wrdreg s4;
	s7 =	sshrl.u32 s13, $0x3;
	s8 =	sadd.s32 s6, s8  }
0x13: {  	s4 =	sshll.u32 s2, $0x7;
	s10 =	sadd.s32 s6, s7;
	[dreg:$0x5] =	wrdreg s8  }
0x14: {  	s7 =	sshll.u32 s31, $0x7;
	s8 =	sshrl.u32 s21, $0x3;
	[dreg:$0x9] =	wrdreg s10  }
0x15: {  	s13 =	sadd.s32 s3, s7;
	s3 =	sadd.s32 s3, s4;
	s10 =	rddreg [dreg:$0x2]  }
0x16: {  	s21 =	sadd.s32 s14, s15;
	s14 =	sadd.s32 $0x3600, s15;
	s25 =	sadd.s32 s6, s8  }
0x17: {  	s8 =	rddreg [dreg:$0x1];
	s17 =	sshrl.u32 s13, $0x3;
	s3 =	sshrl.u32 s3, $0x3  }
0x18: {  	s26 =	sadd.s32 s26, s10;
	[dreg:$0x7] =	wrdreg s25;
	s13 =	sadd.s32 s6, s17  }
0x19: {  	s3 =	sadd.s32 s6, s3;
	s17 =	sadd.s32 s0, s10;
	s25 =	sshrl.u32 s23, $0x2  }
0x1a: {  	s6 =	smax.u32 s20, $0x1;
	s23 =	sadd.s32 s18, s8;
	s18 =	sadd.s32 s11, s10  }
0x1b: {  	s28 =	sadd.s32 s24, s8;
	s24 =	sadd.s32 s22, s10;
	[dreg:$0xa] =	wrdreg s13  }
0x1c: {  	s30 =	sadd.s32 s29, s8;
	[dreg:$0xb] =	wrdreg s3;
	s3 =	sadd.s32 $0x53600, s21  }
0x1d: {  	s29 =	sadd.s32 s31, s10;
	_ =	strace $0x80000047;
	[dreg:$0xc] =	wrdreg s3  }
0x1e: {  	s21 =	sadd.s32 s9, s8;
	s9 =	sadd.s32 s5, s10;
	[dreg:$0xd] =	wrdreg s6  }
0x1f: {  	s0 =	sadd.s32 s4, s8;
	s20 =	sadd.s32 s25, s8;
	[dreg:$0xe] =	wrdreg s9  }
0x20: {  	s25 =	sadd.s32 s19, s8;
	s19 =	sadd.s32 s12, s10;
	[dreg:$0xf] =	wrdreg s18  }
0x21: {  	s31 =	sadd.s32 s2, s10;
	s4 =	simm.s32 $0x3;
	[dreg:$0x10] =	wrdreg s19  }
0x22: {  	s11 =	simm.s32 $0x50;
	s22 =	simm.s32 $0x0;
	[dreg:$0x11] =	wrdreg s24  }
0x23: {  	s13 =	sadd.s32 $0x2B600, s15;
	s15 =	sadd.s32 $0x17600, s15;
	[dreg:$0x12] =	wrdreg s26  }
0x24: {  	s5 =	simm.s32 $0x18A80;
	s12 =	simm.s32 $0x1;
	[dreg:$0x13] =	wrdreg s29  }
0x25: {  	s9 =	sadd.s32 s7, s8;
	[dreg:$0x14] =	wrdreg s31;
	s3 =	simm.s32 $0x16000  }
0x26: {  	v0 =	vimm.f32 $0.0e+00;
	v1 =	vimm.f32 $1.000000000e+00;
	s6 =	simm.s32 $0x14000;
	s7 =	simm.s32 $0x15000;
	s18 =	simm.s32 $0x2  }
.LBB2_1:
0x27: {  	s24 =	simm.s32 $0x0;
	s26 =	simm.s32 $0x200  }
.LBB2_2:
0x28: {  	p0 =	sne.s32 s26, $0x9E00;
	[tilespmem:s24+$0x16070] =	vst v0  }
0x29: {  	[tilespmem:s24+$0x16000] =	vst v0  }
0x2a: {  	[tilespmem:s24+$0x16010] =	vst v0  }
.Ltmp0:
0x2b: {  	[tilespmem:s24+$0x16020] =	vst v0;
	(pc) =	sbr.rel @p0 .LBB2_2-.Ltmp0, $4  }
0x2c: {  	[tilespmem:s24+$0x16030] =	vst v0  }
0x2d: {  	[tilespmem:s24+$0x16040] =	vst v0  }
0x2e: {  	[tilespmem:s24+$0x16050] =	vst v0  }
0x2f: {  	[tilespmem:s24+$0x16060] =	vst v0;
	s24 =	sshra.s32 s26, $0x2;
	s26 =	sadd.s32 $0x200, s26  }
0x30: {  	[tilespmem:s24+$0x16070] =	vst v0  }
0x31: {  	[tilespmem:s24+$0x16000] =	vst v0  }
0x32: {  	[tilespmem:s24+$0x16010] =	vst v0  }
0x33: {  	[tilespmem:s24+$0x16020] =	vst v0  }
0x34: {  	[tilespmem:s24+$0x16030] =	vst v0  }
0x35: {  	[tilespmem:s24+$0x16040] =	vst v0  }
0x36: {  	[tilespmem:s24+$0x16050] =	vst v0  }
0x37: {  	[tilespmem:s24+$0x16060] =	vst v0  }
0x38: {  	[tilespmem:$0x18A80] =	vst v0  }
0x39: {  	[tilespmem:$0x18A90] =	vst v0  }
0x3a: {  	[tilespmem:$0x18AA0] =	vst v0  }
0x3b: {  	[tilespmem:$0x18AB0] =	vst v0  }
0x3c: {  	[tilespmem:$0x18AC0] =	vst v0  }
0x3d: {  	[spmem:s20] =	stream.linear.scatter [tilespmem:s3], [sflag:$0x3], $0x2800, $0x38;
	[tilespmem:$0x18D80] =	vst v63  }
0x3e: {  	_ =	swait.ge [sflag:s4], $0x2800  }
0x3f: {  	[sflag:s4] =	ssyncset.done $0x0  }
0x40: {  	[sflag:s4] =	ssyncadd.s32 $0xFFFFD800  }
0x41: {  	[spmem:s17] =	stream.linear.scatter [tilespmem:s5], [sflag:$0x3], $0x50, $0x38;
	[tilespmem:$0x18D80] =	vst v63  }
0x42: {  	_ =	swait.ge [sflag:s4], $0x50  }
0x43: {  	[sflag:s4] =	ssyncset.done $0x0  }
0x44: {  	[sflag:s4] =	ssyncadd.s32 $0xFFFFFFB0  }
0x45: {  	[spmem:s21] =	stream.linear.scatter [tilespmem:s3], [sflag:$0x3], $0x2800, $0x38;
	[tilespmem:$0x18D80] =	vst v63  }
0x46: {  	_ =	swait.ge [sflag:s4], $0x2800  }
0x47: {  	[sflag:s4] =	ssyncset.done $0x0  }
0x48: {  	s1 =	rddreg [dreg:$0xe];
	[sflag:s4] =	ssyncadd.s32 $0xFFFFD800  }
0x49: {  	[spmem:s1] =	stream.linear.scatter [tilespmem:s5], [sflag:$0x3], $0x50, $0x38;
	[tilespmem:$0x18D80] =	vst v63  }
0x4a: {  	_ =	swait.ge [sflag:s4], $0x50  }
0x4b: {  	[sflag:s4] =	ssyncset.done $0x0  }
0x4c: {  	[sflag:s4] =	ssyncadd.s32 $0xFFFFFFB0  }
0x4d: {  	[spmem:s23] =	stream.linear.scatter [tilespmem:s3], [sflag:$0x3], $0x2800, $0x38;
	[tilespmem:$0x18D80] =	vst v63  }
0x4e: {  	_ =	swait.ge [sflag:s4], $0x2800  }
0x4f: {  	[sflag:s4] =	ssyncset.done $0x0  }
0x50: {  	s2 =	rddreg [dreg:$0xf];
	[sflag:s4] =	ssyncadd.s32 $0xFFFFD800  }
0x51: {  	[spmem:s2] =	stream.linear.scatter [tilespmem:s5], [sflag:$0x3], $0x50, $0x38;
	[tilespmem:$0x18D80] =	vst v63  }
0x52: {  	_ =	swait.ge [sflag:s4], $0x50  }
0x53: {  	[sflag:s4] =	ssyncset.done $0x0  }
0x54: {  	[sflag:s4] =	ssyncadd.s32 $0xFFFFFFB0  }
0x55: {  	[spmem:s25] =	stream.linear.scatter [tilespmem:s3], [sflag:$0x3], $0x2800, $0x38;
	[tilespmem:$0x18D80] =	vst v63  }
0x56: {  	_ =	swait.ge [sflag:s4], $0x2800  }
0x57: {  	[sflag:s4] =	ssyncset.done $0x0  }
0x58: {  	s19 =	rddreg [dreg:$0x10];
	[sflag:s4] =	ssyncadd.s32 $0xFFFFD800  }
0x59: {  	[spmem:s19] =	stream.linear.scatter [tilespmem:s5], [sflag:$0x3], $0x50, $0x38;
	[tilespmem:$0x18D80] =	vst v63  }
0x5a: {  	_ =	swait.ge [sflag:s4], $0x50  }
0x5b: {  	[sflag:s4] =	ssyncset.done $0x0  }
0x5c: {  	[sflag:s4] =	ssyncadd.s32 $0xFFFFFFB0  }
0x5d: {  	[spmem:s28] =	stream.linear.scatter [tilespmem:s3], [sflag:$0x3], $0x2800, $0x38;
	[tilespmem:$0x18D80] =	vst v63  }
0x5e: {  	_ =	swait.ge [sflag:s4], $0x2800  }
0x5f: {  	[sflag:s4] =	ssyncset.done $0x0  }
0x60: {  	s24 =	rddreg [dreg:$0x11];
	[sflag:s4] =	ssyncadd.s32 $0xFFFFD800  }
0x61: {  	[spmem:s24] =	stream.linear.scatter [tilespmem:s5], [sflag:$0x3], $0x50, $0x38;
	[tilespmem:$0x18D80] =	vst v63  }
0x62: {  	_ =	swait.ge [sflag:s4], $0x50  }
0x63: {  	[sflag:s4] =	ssyncset.done $0x0  }
0x64: {  	[sflag:s4] =	ssyncadd.s32 $0xFFFFFFB0  }
0x65: {  	[spmem:s30] =	stream.linear.scatter [tilespmem:s3], [sflag:$0x3], $0x2800, $0x38;
	[tilespmem:$0x18D80] =	vst v63  }
0x66: {  	_ =	swait.ge [sflag:s4], $0x2800  }
0x67: {  	[sflag:s4] =	ssyncset.done $0x0  }
0x68: {  	s26 =	rddreg [dreg:$0x12];
	[sflag:s4] =	ssyncadd.s32 $0xFFFFD800  }
0x69: {  	[spmem:s26] =	stream.linear.scatter [tilespmem:s5], [sflag:$0x3], $0x50, $0x38;
	[tilespmem:$0x18D80] =	vst v63  }
0x6a: {  	_ =	swait.ge [sflag:s4], $0x50  }
0x6b: {  	[sflag:s4] =	ssyncset.done $0x0  }
0x6c: {  	[sflag:s4] =	ssyncadd.s32 $0xFFFFFFB0  }
0x6d: {  	[spmem:s9] =	stream.linear.scatter [tilespmem:s3], [sflag:$0x3], $0x2800, $0x38;
	[tilespmem:$0x18D80] =	vst v63  }
0x6e: {  	_ =	swait.ge [sflag:s4], $0x2800  }
0x6f: {  	[sflag:s4] =	ssyncset.done $0x0  }
0x70: {  	s29 =	rddreg [dreg:$0x13];
	[sflag:s4] =	ssyncadd.s32 $0xFFFFD800  }
0x71: {  	[spmem:s29] =	stream.linear.scatter [tilespmem:s5], [sflag:$0x3], $0x50, $0x38;
	[tilespmem:$0x18D80] =	vst v63  }
0x72: {  	_ =	swait.ge [sflag:s4], $0x50  }
0x73: {  	[sflag:s4] =	ssyncset.done $0x0  }
0x74: {  	[sflag:s4] =	ssyncadd.s32 $0xFFFFFFB0  }
0x75: {  	[spmem:s0] =	stream.linear.scatter [tilespmem:s3], [sflag:$0x3], $0x2800, $0x38;
	[tilespmem:$0x18D80] =	vst v63  }
0x76: {  	_ =	swait.ge [sflag:s4], $0x2800  }
0x77: {  	[sflag:s4] =	ssyncset.done $0x0  }
0x78: {  	s31 =	rddreg [dreg:$0x14];
	[sflag:s4] =	ssyncadd.s32 $0xFFFFD800  }
0x79: {  	[spmem:s31] =	stream.linear.scatter [tilespmem:s5], [sflag:$0x3], $0x50, $0x38;
	[tilespmem:$0x18D80] =	vst v63  }
0x7a: {  	_ =	swait.ge [sflag:s4], $0x50  }
0x7b: {  	[sflag:s4] =	ssyncset.done $0x0  }
0x7c: {  	[sflag:s4] =	ssyncadd.s32 $0xFFFFFFB0  }
0x7d: {  	[tilespmem:$0x18A80] =	vst v1  }
0x7e: {  	[tilespmem:$0x18A90] =	vst v1  }
0x7f: {  	[tilespmem:$0x18AA0] =	vst v1  }
0x80: {  	[tilespmem:$0x18AB0] =	vst v1  }
0x81: {  	[tilespmem:$0x18AC0] =	vst v1  }
0x82: {  	s24 =	simm.s32 $0x0;
	s26 =	simm.s32 $0x0;
	[bflag:$0x0] =	sbarrier.arrive $0xFFFF  }
.LBB2_4:
0x83: {  	s1 =	sshll.u32 s26, $0xC  }
0x84: {  	s1 =	sadd.s32 s16, s1  }
0x85: {  	s1 =	sshrl.u32 s1, $0x3  }
0x86: {  	s29 =	sadd.s32 s14, s1  }
0x87: {  	[tilespmem:s6], [sflag:$0x3] =	stream.linear.gather [hbm4b:s29+s24], $0xC80, $0x38;
	[tilespmem:$0x18D80] =	vst v63  }
0x88: {  	_ =	swait.ge [sflag:s4], $0xC80  }
0x89: {  	[sflag:s4] =	ssyncset.done $0x0  }
0x8a: {  	s1 =	sadd.s32 s15, s1;
	[sflag:s4] =	ssyncadd.s32 $0xFFFFF380  }
0x8b: {  	[tilespmem:s7], [sflag:$0x3] =	stream.linear.gather [hbm4b:s1+s24], $0xC80, $0x38;
	[tilespmem:$0x18D80] =	vst v63  }
0x8c: {  	_ =	swait.ge [sflag:s4], $0xC80  }
0x8d: {  	[sflag:s4] =	ssyncset.done $0x0  }
0x8e: {  	s19 =	simm.s32 $0x14000;
	[sflag:s4] =	ssyncadd.s32 $0xFFFFF380  }
0x8f: {  	[tilespmem:s3], [sflag:$0x1] =	stream.indirect.gather [hbm4b:s13+s11], $0x80, s19, s11, $0xb8;
	[tilespmem:$0x18D80] =	vst v63  }
0x90: {  	_ =	swait.ge [sflag:s12], $0x2800  }
0x91: {  	[sflag:s12] =	ssyncset.done $0x0  }
0x92: {  	s31 =	simm.s32 $0x15000;
	[sflag:s12] =	ssyncadd.s32 $0xFFFFD800  }
0x93: {  	[spmem:s8] =	stream.indirect.scatter.add.f32 [tilespmem:s3], [sflag:$0x3], $0x80, s31, s11, $0xb8;
	[tilespmem:$0x18D80] =	vst v63  }
0x94: {  	_ =	swait.ge [sflag:s4], $0x2800  }
0x95: {  	[sflag:s4] =	ssyncset.done $0x0  }
0x96: {  	s29 =	simm.s32 $0x80;
	s1 =	simm.s32 $0x400;
	[sflag:s4] =	ssyncadd.s32 $0xFFFFD800  }
.LBB2_5:
0x97: {  	[spmem:s10] =	stream.indirect.scatter.add.f32 [tilespmem:s5], [sflag:$0x2], $0x1, s31, s11, $0xb8;
	[tilespmem:$0x18D80] =	vst v63  }
0x98: {  	s31 =	smov.u32 s1  }
0x99: {  	s19 =	sadd.s32 $0x200, s1;
	s2 =	sshra.s32 s31, $0x2;
	s31 =	sadd.s32 $0x14000, s29  }
0x9a: {  	[tilespmem:s3], [sflag:$0x1] =	stream.indirect.gather [hbm4b:s13+s11], $0x80, s31, s11, $0xb8;
	[tilespmem:$0x18D80] =	vst v63  }
0x9b: {  	p0 =	sne.s32 s1, $0x3000;
	_ =	swait.ge [sflag:s12], $0x2800  }
0x9c: {  	[sflag:s12] =	ssyncset.done $0x0  }
.Ltmp1:
0x9d: {  	s31 =	sadd.s32 $0x15000, s29;
	[sflag:s12] =	ssyncadd.s32 $0xFFFFD800;
	(pc) =	sbr.rel @p0 .LBB2_5-.Ltmp1, $4  }
0x9e: {  	[spmem:s8] =	stream.indirect.scatter.add.f32 [tilespmem:s3], [sflag:$0x3], $0x80, s31, s11, $0xb8;
	[tilespmem:$0x18D80] =	vst v63  }
0x9f: {  	s29 =	smov.u32 s2;
	_ =	swait.ge [sflag:s4], $0x2800  }
0xa0: {  	[sflag:s4] =	ssyncset.done $0x0  }
0xa1: {  	s1 =	smov.u32 s19;
	[sflag:s4] =	ssyncadd.s32 $0xFFFFD800  }
0xa2: {  	[spmem:s10] =	stream.indirect.scatter.add.f32 [tilespmem:s5], [sflag:$0x2], $0x1, s31, s11, $0xb8;
	[tilespmem:$0x18D80] =	vst v63  }
0xa3: {  	s1 =	sadd.s32 $0x14000, s29  }
0xa4: {  	[tilespmem:s3], [sflag:$0x1] =	stream.indirect.gather [hbm4b:s13+s11], $0x80, s1, s11, $0xb8;
	[tilespmem:$0x18D80] =	vst v63  }
0xa5: {  	_ =	swait.ge [sflag:s12], $0x2800  }
0xa6: {  	[sflag:s12] =	ssyncset.done $0x0  }
0xa7: {  	s31 =	sadd.s32 $0x15000, s29;
	[sflag:s12] =	ssyncadd.s32 $0xFFFFD800  }
0xa8: {  	[spmem:s8] =	stream.indirect.scatter.add.f32 [tilespmem:s3], [sflag:$0x3], $0x80, s31, s11, $0xb8;
	[tilespmem:$0x18D80] =	vst v63  }
0xa9: {  	_ =	swait.ge [sflag:s4], $0x2800  }
0xaa: {  	[sflag:s4] =	ssyncset.done $0x0  }
0xab: {  	[sflag:s4] =	ssyncadd.s32 $0xFFFFD800  }
0xac: {  	[spmem:s10] =	stream.indirect.scatter.add.f32 [tilespmem:s5], [sflag:$0x2], $0x1, s31, s11, $0xb8;
	[tilespmem:$0x18D80] =	vst v63  }
0xad: {  	_ =	swait.ge [sflag:s18], $0x50  }
0xae: {  	[sflag:s18] =	ssyncset.done $0x0  }
0xaf: {  	[sflag:s18] =	ssyncadd.s32 $0xFFFFFFB0  }
0xb0: {  	_ =	swait.ge [sflag:s18], $0x50  }
0xb1: {  	[sflag:s18] =	ssyncset.done $0x0  }
0xb2: {  	[sflag:s18] =	ssyncadd.s32 $0xFFFFFFB0  }
0xb3: {  	_ =	swait.ge [sflag:s18], $0x50  }
0xb4: {  	[sflag:s18] =	ssyncset.done $0x0  }
0xb5: {  	[sflag:s18] =	ssyncadd.s32 $0xFFFFFFB0  }
0xb6: {  	_ =	swait.ge [sflag:s18], $0x50  }
0xb7: {  	[sflag:s18] =	ssyncset.done $0x0  }
0xb8: {  	[sflag:s18] =	ssyncadd.s32 $0xFFFFFFB0  }
0xb9: {  	_ =	swait.ge [sflag:s18], $0x50  }
0xba: {  	[sflag:s18] =	ssyncset.done $0x0  }
0xbb: {  	[sflag:s18] =	ssyncadd.s32 $0xFFFFFFB0  }
0xbc: {  	_ =	swait.ge [sflag:s18], $0x50  }
0xbd: {  	[sflag:s18] =	ssyncset.done $0x0  }
0xbe: {  	[sflag:s18] =	ssyncadd.s32 $0xFFFFFFB0  }
0xbf: {  	_ =	swait.ge [sflag:s18], $0x50  }
0xc0: {  	[sflag:s18] =	ssyncset.done $0x0  }
0xc1: {  	[sflag:s18] =	ssyncadd.s32 $0xFFFFFFB0  }
0xc2: {  	_ =	swait.ge [sflag:s18], $0x50  }
0xc3: {  	[sflag:s18] =	ssyncset.done $0x0  }
0xc4: {  	[sflag:s18] =	ssyncadd.s32 $0xFFFFFFB0  }
0xc5: {  	_ =	swait.ge [sflag:s18], $0x50  }
0xc6: {  	[sflag:s18] =	ssyncset.done $0x0  }
0xc7: {  	[sflag:s18] =	ssyncadd.s32 $0xFFFFFFB0  }
0xc8: {  	_ =	swait.ge [sflag:s18], $0x50  }
0xc9: {  	[sflag:s18] =	ssyncset.done $0x0  }
0xca: {  	[sflag:s18] =	ssyncadd.s32 $0xFFFFFFB0  }
0xcb: {  	_ =	swait.ge [sflag:s18], $0x50  }
0xcc: {  	[sflag:s18] =	ssyncset.done $0x0  }
0xcd: {  	[sflag:s18] =	ssyncadd.s32 $0xFFFFFFB0  }
0xce: {  	_ =	swait.ge [sflag:s18], $0x50  }
0xcf: {  	[sflag:s18] =	ssyncset.done $0x0  }
0xd0: {  	[sflag:s18] =	ssyncadd.s32 $0xFFFFFFB0  }
0xd1: {  	_ =	swait.ge [sflag:s18], $0x50  }
0xd2: {  	[sflag:s18] =	ssyncset.done $0x0  }
0xd3: {  	[sflag:s18] =	ssyncadd.s32 $0xFFFFFFB0  }
0xd4: {  	_ =	swait.ge [sflag:s18], $0x50  }
0xd5: {  	[sflag:s18] =	ssyncset.done $0x0  }
0xd6: {  	[sflag:s18] =	ssyncadd.s32 $0xFFFFFFB0  }
0xd7: {  	_ =	swait.ge [sflag:s18], $0x50  }
0xd8: {  	[sflag:s18] =	ssyncset.done $0x0  }
0xd9: {  	[sflag:s18] =	ssyncadd.s32 $0xFFFFFFB0  }
0xda: {  	_ =	swait.ge [sflag:s18], $0x50  }
0xdb: {  	[sflag:s18] =	ssyncset.done $0x0  }
0xdc: {  	[sflag:s18] =	ssyncadd.s32 $0xFFFFFFB0  }
0xdd: {  	_ =	swait.ge [sflag:s18], $0x50  }
0xde: {  	[sflag:s18] =	ssyncset.done $0x0  }
0xdf: {  	[sflag:s18] =	ssyncadd.s32 $0xFFFFFFB0  }
0xe0: {  	_ =	swait.ge [sflag:s18], $0x50  }
0xe1: {  	[sflag:s18] =	ssyncset.done $0x0  }
0xe2: {  	[sflag:s18] =	ssyncadd.s32 $0xFFFFFFB0  }
0xe3: {  	_ =	swait.ge [sflag:s18], $0x50  }
0xe4: {  	[sflag:s18] =	ssyncset.done $0x0  }
0xe5: {  	[sflag:s18] =	ssyncadd.s32 $0xFFFFFFB0  }
0xe6: {  	_ =	swait.ge [sflag:s18], $0x50  }
0xe7: {  	[sflag:s18] =	ssyncset.done $0x0  }
0xe8: {  	[sflag:s18] =	ssyncadd.s32 $0xFFFFFFB0  }
0xe9: {  	_ =	swait.ge [sflag:s18], $0x50  }
0xea: {  	[sflag:s18] =	ssyncset.done $0x0  }
0xeb: {  	[sflag:s18] =	ssyncadd.s32 $0xFFFFFFB0  }
0xec: {  	_ =	swait.ge [sflag:s18], $0x50  }
0xed: {  	[sflag:s18] =	ssyncset.done $0x0  }
0xee: {  	[sflag:s18] =	ssyncadd.s32 $0xFFFFFFB0  }
0xef: {  	_ =	swait.ge [sflag:s18], $0x50  }
0xf0: {  	[sflag:s18] =	ssyncset.done $0x0  }
0xf1: {  	s26 =	sadd.s32 $0x1, s26;
	[sflag:s18] =	ssyncadd.s32 $0xFFFFFFB0  }
0xf2: {  	p0 =	sne.s32 s26, $0x5;
	_ =	swait.ge [sflag:s18], $0x50  }
.Ltmp2:
0xf3: {  	[sflag:s18] =	ssyncset.done $0x0;
	(pc) =	sbr.rel @p0 .LBB2_4-.Ltmp2, $4  }
0xf4: {  	[sflag:s18] =	ssyncadd.s32 $0xFFFFFFB0  }
0xf5: {  	_ =	swait.ge [sflag:s18], $0x50  }
0xf6: {  	[sflag:s18] =	ssyncset.done $0x0  }
0xf7: {  	[sflag:s18] =	ssyncadd.s32 $0xFFFFFFB0  }
0xf8: {  	s1 =	stileid.u32  }
0xf9: {  	[bflag:$0x0] =	sbarrier.arrive $0xFFFF;
	s1 =	sshll.u32 s1, $0x6  }
0xfa: {  	s2 =	sshrl.u32 s20, $0x3;
	s19 =	rddreg [dreg:$0x4];
	s1 =	sor.u32 $0x1C03, s1  }
0xfb: {  	[hbm:s19], [sflag:s1] =	dma.local [spmem:s2], $0x500  }
0xfc: {  	_ =	swait.ge [sflag:s4], $0x500  }
0xfd: {  	[sflag:s4] =	ssyncset.done $0x0  }
0xfe: {  	s29 =	sshrl.u32 s21, $0x3;
	s31 =	rddreg [dreg:$0x5];
	[sflag:s4] =	ssyncadd.s32 $0xFFFFFB00  }
0xff: {  	[hbm:s31], [sflag:s1] =	dma.local [spmem:s29], $0x500  }
0x100: {  	_ =	swait.ge [sflag:s4], $0x500  }
0x101: {  	[sflag:s4] =	ssyncset.done $0x0  }
0x102: {  	s24 =	sshrl.u32 s23, $0x3;
	s26 =	rddreg [dreg:$0x6];
	[sflag:s4] =	ssyncadd.s32 $0xFFFFFB00  }
0x103: {  	[hbm:s26], [sflag:s1] =	dma.local [spmem:s24], $0x500  }
0x104: {  	_ =	swait.ge [sflag:s4], $0x500  }
0x105: {  	[sflag:s4] =	ssyncset.done $0x0  }
0x106: {  	s29 =	sshrl.u32 s25, $0x3;
	s31 =	rddreg [dreg:$0x7];
	[sflag:s4] =	ssyncadd.s32 $0xFFFFFB00  }
0x107: {  	[hbm:s31], [sflag:s1] =	dma.local [spmem:s29], $0x500  }
0x108: {  	_ =	swait.ge [sflag:s4], $0x500  }
0x109: {  	[sflag:s4] =	ssyncset.done $0x0  }
0x10a: {  	s24 =	sshrl.u32 s28, $0x3;
	s26 =	rddreg [dreg:$0x8];
	[sflag:s4] =	ssyncadd.s32 $0xFFFFFB00  }
0x10b: {  	[hbm:s26], [sflag:s1] =	dma.local [spmem:s24], $0x500  }
0x10c: {  	_ =	swait.ge [sflag:s4], $0x500  }
0x10d: {  	[sflag:s4] =	ssyncset.done $0x0  }
0x10e: {  	s29 =	sshrl.u32 s30, $0x3;
	s31 =	rddreg [dreg:$0x9];
	[sflag:s4] =	ssyncadd.s32 $0xFFFFFB00  }
0x10f: {  	[hbm:s31], [sflag:s1] =	dma.local [spmem:s29], $0x500  }
0x110: {  	_ =	swait.ge [sflag:s4], $0x500  }
0x111: {  	[sflag:s4] =	ssyncset.done $0x0  }
0x112: {  	s24 =	sshrl.u32 s9, $0x3;
	s26 =	rddreg [dreg:$0xa];
	[sflag:s4] =	ssyncadd.s32 $0xFFFFFB00  }
0x113: {  	[hbm:s26], [sflag:s1] =	dma.local [spmem:s24], $0x500  }
0x114: {  	_ =	swait.ge [sflag:s4], $0x500  }
0x115: {  	[sflag:s4] =	ssyncset.done $0x0  }
0x116: {  	s29 =	sshrl.u32 s0, $0x3;
	s31 =	rddreg [dreg:$0xb];
	[sflag:s4] =	ssyncadd.s32 $0xFFFFFB00  }
0x117: {  	[hbm:s31], [sflag:s1] =	dma.local [spmem:s29], $0x500  }
0x118: {  	_ =	swait.ge [sflag:s4], $0x500  }
0x119: {  	[sflag:s4] =	ssyncset.done $0x0  }
0x11a: {  	s24 =	simm.s32 $0x18B00;
	[sflag:s4] =	ssyncadd.s32 $0xFFFFFB00  }
0x11b: {  	[tilespmem:s24], [sflag:$0x3] =	stream.linear.gather [spmem:s17], $0x280, $0x38;
	[tilespmem:$0x18D80] =	vst v63  }
0x11c: {  	_ =	swait.ge [sflag:s4], $0x280  }
0x11d: {  	[sflag:s4] =	ssyncset.done $0x0  }
0x11e: {  	s26 =	simm.s32 $0x0;
	s29 =	rddreg [dreg:$0xc];
	[sflag:s4] =	ssyncadd.s32 $0xFFFFFD80  }
0x11f: {  	[hbm4b:s29+s26] =	stream.linear.scatter [tilespmem:s24], [sflag:$0x3], $0x280, $0x38;
	[tilespmem:$0x18D80] =	vst v63  }
0x120: {  	_ =	swait.ge [sflag:s4], $0x280  }
0x121: {  	s22 =	sadd.s32 $0x1, s22;
	s31 =	rddreg [dreg:$0xd]  }
0x122: {  	p0 =	sne.s32 s22, s31  }
.Ltmp3:
0x123: {  	_ = 	snop;
	(pc) =	sbr.rel @p0 .LBB2_1-.Ltmp3, $3  }
0x124: {  	_ =	sdelay $0x1  }
0x125: {  	[sflag:s4] =	ssyncset.done $0x0  }
0x126: {  	[sflag:s4] =	ssyncadd.s32 $0xFFFFFD80  }
0x127: {  	_ =	sfence.sel $0x180000  }
0x128: {  	[bflag:$0x0] =	sbarrier.arrive $0xFFFF  }
0x129: {  	_ =	strace $0x90000047  }
0x12a: {  	s0 =	stileid.u32;
	[bflag:$0x2] =	sbarrier.arrive $0xFFFF  }
0x12b: {  	p0 =	sne.s32 s0, $0x0;
	s0 =	rddreg [dreg:$0x3]  }
0x12c: {  	s0 =	sadd.s32 @!p0 $0x100000, s0  }
0x12d: {  	[sflag:s0] =	ssyncadd.tile.s32 @!p0 $0x1;
	_ =	shalt  }
.Lfunc_end2:
_tile_overlayer_lowered:
.L_overlay_start_2:
0x12e: {  	(tag) =	ssettag $0x2  }
0x12f: {  	s0 =	rddreg [dreg:$0x0];
	s2 =	stileid.u32  }
0x130: {  	s1 =	rddreg [dreg:$0x1];
	p0 =	sne.s32 s2, $0x0  }
0x131: {  	s3 =	rddreg [dreg:$0x2];
	[bflag:$0x3] =	sbarrier.arrive $0xFFFF;
	s2 =	simm.s32 @!p0 $0x1C03  }
0x132: {  	[timem:s3], [sflag:s2] =	dma.local @!p0 [hbm:s0], s1  }
0x133: {  	s0 =	simm.s32 @!p0 $0x3  }
0x134: {  	_ =	swait.ge @!p0 [sflag:s0], s1  }
0x135: {  	s1 =	ssub.s32 @!p0 $0x0, s1;
	[sflag:s0] =	ssyncset.done @!p0 $0x0  }
0x136: {  	[sflag:s0] =	ssyncadd.s32 @!p0 s1  }
0x137: {  	[bflag:$0x3] =	sbarrier.arrive $0xFFFF  }
0x138: {  	_ =	shalt  }

// kernel: kernel.9.cloned.1.call-start
scs
__scs_entry_jumppad:
0x0: {  	(pc) =	sbr.rel $0x88, $3  }
0x1: {  	(tag) =	ssettag $0x0;
	lr =	simm.s32 $0x1  }
0x2: {  	[smem:$0x3F99] =	sst lr;
	_ =	strace $0xD0000000  }
0x3: {  	_ = 	snop  }
0x4: {  	_ = 	snop  }
0x5: {  	_ = 	snop  }
0x6: {  	_ = 	snop  }
0x7: {  	_ = 	snop  }
__scs_overlays_trampoline_lowered:
0x8: {  	[smem:$0x3FA8] =	sst s0  }
0x9: {  	[smem:$0x3FA9] =	sst s1  }
0xa: {  	[smem:$0x3FAA] =	sst s2  }
0xb: {  	[smem:$0x3FAB] =	sst s3  }
0xc: {  	[smem:$0x3FAC] =	sst s4  }
0xd: {  	[smem:$0x3FAD] =	sst s5  }
0xe: {  	[smem:$0x3FAE] =	sst s6  }
0xf: {  	[smem:$0x3FAF] =	sst s7  }
0x10: {  	[smem:$0x3FB0] =	sst s8  }
0x11: {  	[smem:$0x3FB1] =	sst s9;
	s0 =	simm.s32 @!p0 $0x0  }
0x12: {  	s1 =	sld [smem:$0x3F97];
	s0 =	simm.s32 @p0 $0x1  }
0x13: {  	[smem:$0x3FB2] =	sst s0;
	s0 =	simm.s32 @!p1 $0x0  }
0x14: {  	s2 =	sld [smem:$0x3F96];
	s0 =	simm.s32 @p1 $0x1  }
0x15: {  	[smem:$0x3FB3] =	sst s0;
	s0 =	simm.s32 @!p2 $0x0  }
0x16: {  	s3 =	sld [smem:$0x3FDB];
	s0 =	simm.s32 @p2 $0x1  }
0x17: {  	s4 =	simm.s32 $0x1BF5;
	[smem:$0x3FB5] =	sst s0  }
0x18: {  	s0 =	sld [smem:$0x3F98];
	_ =	swait.ge [sflag:s4], $0x0  }
0x19: {  	s7 =	sld [smem:$0x3F99]  }
0x1a: {  	s8 =	sadd.s32 $0xFFFFE003, lr  }
0x1b: {  	s9 =	sadd.s32 $0xFFFFFEF7, lr;
	s5 =	simm.s32 $0xFFFFFFFF;
	p2 =	slt.u32 s8, $0xFFFFF086  }
0x1c: {  	p1 =	slt.u32 s9, $0xF7A;
	s5 =	simm.s32 @!p2 $0x0  }
0x1d: {  	s5 =	simm.s32 @p1 $0x1;
	p0 =	seq.s32 s7, s2  }
0x1e: {  	s7 =	smul.u32 @!p0 $0xF7A, s2;
	p2 =	seq.s32 @!p0 s5, $0x0  }
0x1f: {  	s9 =	smul.u32 $0xF7A, s1;
	s8 =	simm.s32 @!p0 $0x1BF5;
	p2 =	por !p2, p0  }
0x20: {  	[sflag:s8] =	ssyncset.s32 @!p0 $0xFFFFF086;
	s6 =	sadd.s32 @!p0 s3, s7;
	s7 =	simm.s32 @!p0 $0x108  }
0x21: {  	s3 =	sadd.s32 s3, s9;
	s6 =	sadd.s32 @!p0 $0x88, s6;
	s7 =	simm.s32 @p2 $0x1082  }
0x22: {  	[simem:s7], [sflag:s8] =	dma.local @!p0 [hbm:s6], $0xF7A  }
0x23: {  	s9 =	sor.u32 $0xD0000000, s2;
	s6 =	simm.s32 $0x108;
	_ =	swait.ge @!p0 [sflag:s8], $0x0  }
0x24: {  	s3 =	sadd.s32 $0x88, s3;
	s6 =	simm.s32 @!p1 $0x1082;
	[sflag:s4] =	ssyncset.s32 $0xFFFFF086  }
0x25: {  	[simem:s6], [sflag:s4] =	dma.local [hbm:s3], $0xF7A  }
0x26: {  	[smem:$0x3F99] =	sst s1;
	(tag) =	ssettag s2;
	_ =	strace s9  }
0x27: {  	s1 =	sld [smem:$0x3FA9]  }
0x28: {  	s2 =	sld [smem:$0x3FAA]  }
0x29: {  	s4 =	sld [smem:$0x3FAC]  }
0x2a: {  	p0 =	seq.s32 s5, $0x0;
	s5 =	sld [smem:$0x3FAD]  }
0x2b: {  	s6 =	sld [smem:$0x3FAE]  }
0x2c: {  	s7 =	sld [smem:$0x3FAF]  }
0x2d: {  	s3 =	simm.s32 $0x108;
	s8 =	sld [smem:$0x3FB0]  }
0x2e: {  	s3 =	simm.s32 @!p0 $0x1082;
	s9 =	sld [smem:$0x3FB1]  }
0x2f: {  	lr =	sadd.s32 s0, s3;
	s0 =	sld [smem:$0x3FA8]  }
0x30: {  	s3 =	sld [smem:$0x3FAB]  }
0x31: {  	[smem:$0x3FB4] =	sst s10  }
0x32: {  	s10 =	sld [smem:$0x3FB2];
	_ =	sdelay $0x3  }
0x33: {  	p0 =	seq.s32 s10, $0x1;
	s10 =	sld [smem:$0x3FB4];
	_ =	sdelay $0x3  }
0x34: {  	[smem:$0x3FB4] =	sst s10  }
0x35: {  	s10 =	sld [smem:$0x3FB3];
	_ =	sdelay $0x3  }
0x36: {  	p1 =	seq.s32 s10, $0x1;
	s10 =	sld [smem:$0x3FB4];
	_ =	sdelay $0x3  }
0x37: {  	[smem:$0x3FB4] =	sst s10  }
0x38: {  	s10 =	sld [smem:$0x3FB5]  }
0x39: {  	_ = 	snop;
	(pc) =	sbr.ind lr, $3  }
0x3a: {  	_ = 	snop  }
0x3b: {  	_ = 	snop  }
0x3c: {  	p2 =	seq.s32 s10, $0x1;
	s10 =	sld [smem:$0x3FB4]  }
0x3d: {  	_ =	shalt  }
0x3e: {  	_ =	shalt  }
0x3f: {  	_ =	shalt  }
0x40: {  	_ =	shalt  }
0x41: {  	_ =	shalt  }
0x42: {  	_ =	shalt  }
0x43: {  	_ =	shalt  }
0x44: {  	_ =	shalt  }
0x45: {  	_ =	shalt  }
0x46: {  	_ =	shalt  }
0x47: {  	_ =	shalt  }
0x48: {  	_ =	shalt  }
0x49: {  	_ =	shalt  }
0x4a: {  	_ =	shalt  }
0x4b: {  	_ =	shalt  }
0x4c: {  	_ =	shalt  }
0x4d: {  	_ =	shalt  }
0x4e: {  	_ =	shalt  }
0x4f: {  	_ =	shalt  }
0x50: {  	_ =	shalt  }
0x51: {  	_ =	shalt  }
0x52: {  	_ =	shalt  }
0x53: {  	_ =	shalt  }
0x54: {  	_ =	shalt  }
0x55: {  	_ =	shalt  }
0x56: {  	_ =	shalt  }
0x57: {  	_ =	shalt  }
0x58: {  	_ =	shalt  }
0x59: {  	_ =	shalt  }
0x5a: {  	_ =	shalt  }
0x5b: {  	_ =	shalt  }
0x5c: {  	_ =	shalt  }
0x5d: {  	_ =	shalt  }
0x5e: {  	_ =	shalt  }
0x5f: {  	_ =	shalt  }
0x60: {  	_ =	shalt  }
0x61: {  	_ =	shalt  }
0x62: {  	_ =	shalt  }
0x63: {  	_ =	shalt  }
0x64: {  	_ =	shalt  }
0x65: {  	_ =	shalt  }
0x66: {  	_ =	shalt  }
0x67: {  	_ =	shalt  }
0x68: {  	_ =	shalt  }
0x69: {  	_ =	shalt  }
0x6a: {  	_ =	shalt  }
0x6b: {  	_ =	shalt  }
0x6c: {  	_ =	shalt  }
0x6d: {  	_ =	shalt  }
0x6e: {  	_ =	shalt  }
0x6f: {  	_ =	shalt  }
0x70: {  	_ =	shalt  }
0x71: {  	_ =	shalt  }
0x72: {  	_ =	shalt  }
0x73: {  	_ =	shalt  }
0x74: {  	_ =	shalt  }
0x75: {  	_ =	shalt  }
0x76: {  	_ =	shalt  }
0x77: {  	_ =	shalt  }
0x78: {  	_ =	shalt  }
0x79: {  	_ =	shalt  }
0x7a: {  	_ =	shalt  }
0x7b: {  	_ =	shalt  }
0x7c: {  	_ =	shalt  }
0x7d: {  	_ =	shalt  }
0x7e: {  	_ =	shalt  }
0x7f: {  	_ =	shalt  }
0x80: {  	_ =	shalt  }
0x81: {  	_ =	shalt  }
0x82: {  	_ =	shalt  }
0x83: {  	_ =	shalt  }
0x84: {  	_ =	shalt  }
0x85: {  	_ =	shalt  }
0x86: {  	_ =	shalt  }
0x87: {  	_ =	shalt  }
.Lfunc_end0:
.L_simem_size_0:
called_computation.1_lowered:
.L_overlay_start_0:
0x88: {  	s2 =	sld [smem:$0x3FD9]  }
0x89: {  	s3 =	sld [smem:$0x3FFE];
	_ =	sdelay $0x1  }
0x8a: {  	s1 =	srdreg.scid  }
0x8b: {  	s0 =	sand.u32 $0x1, s1  }
0x8c: {  	s16 =	sshll.u32 s0, $0xA;
	s2 =	sadd.s32 s3, s2  }
0x8d: {  	s2 =	sadd.s32 s2, s16  }
0x8e: {  	[smem:$0x3FC0] =	sst s2  }
0x8f: {  	_ = 	snop  }
0x90: {  	(tm) =	ssettm $0x1  }
0x91: {  	s17 =	sld [smem:$0x3FFB];
	_ =	sdelay $0x3  }
0x92: {  	_ =	strace s17  }
0x93: {  	s2 =	sld [smem:$0x3FFC];
	_ =	sdelay $0x3  }
0x94: {  	_ =	strace s2  }
0x95: {  	s2 =	sld [smem:$0x3FFD];
	_ =	sdelay $0x3  }
0x96: {  	_ =	strace s2  }
0x97: {  	_ =	strace $0x8FFFFFFF  }
0x98: {  	s18 =	sld [smem:$0x3FDB];
	_ =	sdelay $0x1  }
0x99: {  	s19 =	simm.s32 $_scs_section_size  }
0x9a: {  	s4 =	simm.s32 $_size__tile_overlayer_lowered;
	s5 =	simm.s32 $_tile_overlayer_lowered  }
0x9b: {  	s22 =	simm.s32 $0x1BFF;
	s21 =	sshll.u32 s5, $0x1;
	s2 =	sadd.s32 s19, s18  }
0x9c: {  	s6 =	simm.s32 $0x0;
	s20 =	sshll.u32 s4, $0x1;
	s4 =	sadd.s32 s21, s2  }
0x9d: {  	[timem:s6], [sflag:s22] =	dma.local [hbm:s4], s20  }
0x9e: {  	_ =	swait.ge [sflag:s22], s20  }
0x9f: {  	s3 =	ssub.s32 $0x0, s20;
	[sflag:s22] =	ssyncset.done $0x0  }
0xa0: {  	[sflag:s22] =	ssyncadd.s32 s3;
	_ =	sdelay $0x1  }
0xa1: {  	s23 =	simm.s32 $0x1B8B  }
0xa2: {  	_ =	swait.ge [sflag:s23], $0x1  }
0xa3: {  	[sflag:s23] =	ssyncset.done $0x0  }
0xa4: {  	s25 =	simm.s32 $0x1B8E;
	s24 =	sld [smem:$0x3FFE];
	[sflag:s23] =	ssyncadd.s32 $0xFFFFFFFF  }
0xa5: {  	s26 =	simm.s32 $execute0_lowered;
	[smem:$0x3FD2] =	sst s25  }
0xa6: {  	s4 =	sshll.u32 s26, $0x1;
	_ =	strace $0x80000049;
	[dreg:$0x1] =	wrdreg $0xFFFFFFFF  }
0xa7: {  	s28 =	simm.s32 $_size_execute0_lowered;
	s2 =	sadd.s32 s2, s4;
	[dreg:$0x0] =	wrdreg $0x0  }
0xa8: {  	s4 =	sshll.u32 s28, $0x1;
	[dreg:$0x2] =	wrdreg s2  }
0xa9: {  	[dreg:$0x3] =	wrdreg s4  }
0xaa: {  	[dreg:$0x4] =	wrdreg $0xC0  }
0xab: {  	_ =	task [dreg:s6], $0x5FFFF  }
0xac: {  	[dreg:$0x1] =	wrdreg $0xFFFFFFFF  }
0xad: {  	[dreg:$0x0] =	wrdreg $0x60  }
0xae: {  	[dreg:$0x2] =	wrdreg s24  }
0xaf: {  	[dreg:$0x3] =	wrdreg $0x0  }
0xb0: {  	[dreg:$0x4] =	wrdreg $0x9  }
0xb1: {  	_ =	task.clear_ibuf [dreg:s6], $0x5FFFF;
	_ =	strace $0x90000049  }
0xb2: {  	s29 =	simm.s32 $0x9;
	_ =	strace $0x8000004B  }
0xb3: {  	_ =	swait.ge [sflag:s29], $0x1  }
0xb4: {  	[sflag:s29] =	ssyncadd.s32 $0xFFFFFFFF  }
0xb5: {  	_ =	strace $0x9000004B  }
0xb6: {  	_ =	sfence  }
0xb7: {  	s30 =	sld [smem:$0x0];
	_ =	sdelay $0x2  }
0xb8: {  	s31 =	sshll.u32 s1, $0xD;
	s1 =	sshrl.u32 s1, $0x2  }
0xb9: {  	s3 =	sand.u32 $0x4000, s31;
	s1 =	sadd.s32 s1, s30  }
0xba: {  	s0 =	sor.u32 s3, s0;
	s1 =	sshll.u32 s1, $0x11  }
0xbb: {  	s0 =	sor.u32 s1, s0  }
0xbc: {  	s0 =	sadd.s32 $0x8F2B, s0  }
0xbd: {  	[sflag:s0] =	ssyncadd.remote.s32 $0x1  }
0xbe: {  	_ =	sfence.sel $0xFFFF  }
0xbf: {  	[dreg:$0x0] =	wrdreg $0xFFFFFFFF;
	(pc) =	sbr.abs _section_cstart, $3  }
0xc0: {  	[dreg:$0x1] =	wrdreg $0xFFFFFFFF  }
0xc1: {  	_ =	task.clear_ibuf [dreg:s6], $0x2FFFF;
	_ =	strace $0x9FFFFFFF  }
0xc2: {  	(tm) =	ssettm $0x7FFFFFFF  }
0xc3: {  	_ =	shalt  }
tec
execute0_lowered:
.L_overlay_start_1:
0x0: {  	(tag) =	ssettag $0x1  }
0x1: {  	s0 =	rddreg [dreg:$0x0]  }
0x2: {  	s1 =	rddreg [dreg:$0x1];
	s2 =	simm.s32 $0x0;
	s3 =	srdreg.scid  }
0x3: {  	s12 =	stileid.u32;
	s28 =	simm.s32 $0x14000;
	s29 =	simm.s32 $0x15000  }
0x4: {  	s30 =	simm.s32 $0x50;
	s31 =	simm.s32 $0x1;
	[smem:$0x7FF] =	sst s2  }
0x5: {  	s4 =	sadd.s32 $0x2B600, s0;
	s3 =	sand.u32 $0x1, s3;
	s5 =	sadd.s32 $0x3600, s0  }
0x6: {  	s6 =	sadd.s32 $0x17600, s0;
	s9 =	smul.u32 $0x14000, s12;
	s0 =	sadd.s32 $0xA3600, s0  }
0x7: {  	s8 =	smul.u32 $0x140000, s3;
	s7 =	ssub.s32 $0x2, s3;
	s3 =	sshll.u32 s3, $0x4  }
0x8: {  	_ =	strace $0x8000004A;
	s10 =	sshrl.u32 s7, $0x1;
	s3 =	sor.u32 s12, s3  }
0x9: {  	s12 =	smul.u32 $0x50000, s12;
	s26 =	sor.u32 $0x2800, s9;
	s17 =	sadd.s32 $0x5000, s9  }
0xa: {  	s18 =	sadd.s32 $0x7800, s9;
	s19 =	sadd.s32 $0xA000, s9;
	s20 =	sadd.s32 $0xC800, s9  }
0xb: {  	s21 =	sadd.s32 $0xF000, s9;
	s11 =	sadd.s32 s8, s9;
	s10 =	ssub.s32 s7, s10  }
0xc: {  	s7 =	smul.u32 $0x5000, s3;
	s13 =	sadd.s32 s18, s1;
	s14 =	sadd.s32 s19, s1  }
0xd: {  	s15 =	sadd.s32 s20, s1;
	s16 =	sadd.s32 s21, s1;
	s9 =	sadd.s32 $0x11800, s9  }
0xe: {  	s22 =	sadd.s32 s8, s17;
	s19 =	sadd.s32 s8, s19;
	s23 =	sshrl.u32 s11, $0x3  }
0xf: {  	s24 =	smax.u32 s10, $0x1;
	s25 =	sshrl.u32 s12, $0x2;
	s11 =	sadd.s32 s26, s1  }
0x10: {  	s12 =	sadd.s32 s17, s1;
	s17 =	sadd.s32 s9, s1;
	s3 =	sadd.s32 s0, s23  }
0x11: {  	[dreg:$0x4] =	wrdreg s24;
	s10 =	sadd.s32 s25, s1;
	s23 =	sadd.s32 s8, s18  }
0x12: {  	s24 =	sadd.s32 s8, s20;
	s25 =	sadd.s32 s8, s21;
	s20 =	sshrl.u32 s22, $0x3  }
0x13: {  	s22 =	sshrl.u32 s19, $0x3;
	[dreg:$0x3] =	wrdreg s3;
	s3 =	sadd.s32 s8, s26  }
0x14: {  	s8 =	sadd.s32 s8, s9;
	s21 =	sshrl.u32 s23, $0x3;
	s24 =	sshrl.u32 s24, $0x3  }
0x15: {  	s26 =	sshrl.u32 s25, $0x3;
	s25 =	simm.s32 $0x16000;
	s3 =	sshrl.u32 s3, $0x3  }
0x16: {  	s23 =	sadd.s32 s0, s21;
	s21 =	sadd.s32 s0, s22;
	s8 =	sshrl.u32 s8, $0x3  }
0x17: {  	s22 =	sadd.s32 s0, s24;
	s3 =	sadd.s32 s0, s3;
	[dreg:$0x7] =	wrdreg s23  }
0x18: {  	s23 =	sadd.s32 s0, s26;
	[dreg:$0x5] =	wrdreg s3;
	s3 =	sadd.s32 s0, s20  }
0x19: {  	v0 =	vimm.f32 $0.0e+00;
	s24 =	sadd.s32 s0, s8;
	s26 =	simm.s32 $0x2;
	[dreg:$0x6] =	wrdreg s3  }
.LBB2_1:
0x1a: {  	s0 =	simm.s32 $0x0;
	s3 =	simm.s32 $0x200  }
.LBB2_2:
0x1b: {  	p0 =	sne.s32 s3, $0x9E00;
	[tilespmem:s0+$0x16070] =	vst v0  }
0x1c: {  	[tilespmem:s0+$0x16000] =	vst v0  }
0x1d: {  	[tilespmem:s0+$0x16010] =	vst v0  }
.Ltmp0:
0x1e: {  	[tilespmem:s0+$0x16020] =	vst v0;
	(pc) =	sbr.rel @p0 .LBB2_2-.Ltmp0, $4  }
0x1f: {  	[tilespmem:s0+$0x16030] =	vst v0  }
0x20: {  	[tilespmem:s0+$0x16040] =	vst v0  }
0x21: {  	[tilespmem:s0+$0x16050] =	vst v0  }
0x22: {  	[tilespmem:s0+$0x16060] =	vst v0;
	s0 =	sshra.s32 s3, $0x2;
	s3 =	sadd.s32 $0x200, s3  }
0x23: {  	[tilespmem:s0+$0x16070] =	vst v0  }
0x24: {  	[tilespmem:s0+$0x16000] =	vst v0  }
0x25: {  	[tilespmem:s0+$0x16010] =	vst v0  }
0x26: {  	[tilespmem:s0+$0x16020] =	vst v0  }
0x27: {  	[tilespmem:s0+$0x16030] =	vst v0  }
0x28: {  	[tilespmem:s0+$0x16040] =	vst v0  }
0x29: {  	[tilespmem:s0+$0x16050] =	vst v0  }
0x2a: {  	[tilespmem:s0+$0x16060] =	vst v0  }
0x2b: {  	[spmem:s10] =	stream.linear.scatter [tilespmem:s25], [sflag:$0x2], $0x2800, $0x38;
	[tilespmem:$0x18800] =	vst v63  }
0x2c: {  	_ =	swait.ge [sflag:s26], $0x2800  }
0x2d: {  	[sflag:s26] =	ssyncset.done $0x0  }
0x2e: {  	[sflag:s26] =	ssyncadd.s32 $0xFFFFD800  }
0x2f: {  	[spmem:s11] =	stream.linear.scatter [tilespmem:s25], [sflag:$0x2], $0x2800, $0x38;
	[tilespmem:$0x18800] =	vst v63  }
0x30: {  	_ =	swait.ge [sflag:s26], $0x2800  }
0x31: {  	[sflag:s26] =	ssyncset.done $0x0  }
0x32: {  	[sflag:s26] =	ssyncadd.s32 $0xFFFFD800  }
0x33: {  	[spmem:s12] =	stream.linear.scatter [tilespmem:s25], [sflag:$0x2], $0x2800, $0x38;
	[tilespmem:$0x18800] =	vst v63  }
0x34: {  	_ =	swait.ge [sflag:s26], $0x2800  }
0x35: {  	[sflag:s26] =	ssyncset.done $0x0  }
0x36: {  	[sflag:s26] =	ssyncadd.s32 $0xFFFFD800  }
0x37: {  	[spmem:s13] =	stream.linear.scatter [tilespmem:s25], [sflag:$0x2], $0x2800, $0x38;
	[tilespmem:$0x18800] =	vst v63  }
0x38: {  	_ =	swait.ge [sflag:s26], $0x2800  }
0x39: {  	[sflag:s26] =	ssyncset.done $0x0  }
0x3a: {  	[sflag:s26] =	ssyncadd.s32 $0xFFFFD800  }
0x3b: {  	[spmem:s14] =	stream.linear.scatter [tilespmem:s25], [sflag:$0x2], $0x2800, $0x38;
	[tilespmem:$0x18800] =	vst v63  }
0x3c: {  	_ =	swait.ge [sflag:s26], $0x2800  }
0x3d: {  	[sflag:s26] =	ssyncset.done $0x0  }
0x3e: {  	[sflag:s26] =	ssyncadd.s32 $0xFFFFD800  }
0x3f: {  	[spmem:s15] =	stream.linear.scatter [tilespmem:s25], [sflag:$0x2], $0x2800, $0x38;
	[tilespmem:$0x18800] =	vst v63  }
0x40: {  	_ =	swait.ge [sflag:s26], $0x2800  }
0x41: {  	[sflag:s26] =	ssyncset.done $0x0  }
0x42: {  	[sflag:s26] =	ssyncadd.s32 $0xFFFFD800  }
0x43: {  	[spmem:s16] =	stream.linear.scatter [tilespmem:s25], [sflag:$0x2], $0x2800, $0x38;
	[tilespmem:$0x18800] =	vst v63  }
0x44: {  	_ =	swait.ge [sflag:s26], $0x2800  }
0x45: {  	[sflag:s26] =	ssyncset.done $0x0  }
0x46: {  	[sflag:s26] =	ssyncadd.s32 $0xFFFFD800  }
0x47: {  	[spmem:s17] =	stream.linear.scatter [tilespmem:s25], [sflag:$0x2], $0x2800, $0x38;
	[tilespmem:$0x18800] =	vst v63  }
0x48: {  	_ =	swait.ge [sflag:s26], $0x2800  }
0x49: {  	[sflag:s26] =	ssyncset.done $0x0  }
0x4a: {  	[sflag:s26] =	ssyncadd.s32 $0xFFFFD800  }
0x4b: {  	s0 =	simm.s32 $0x0;
	s3 =	simm.s32 $0x0;
	[bflag:$0x0] =	sbarrier.arrive $0xFFFF  }
.LBB2_4:
0x4c: {  	s8 =	sshll.u32 s3, $0xC  }
0x4d: {  	s8 =	sadd.s32 s7, s8  }
0x4e: {  	s8 =	sshrl.u32 s8, $0x3  }
0x4f: {  	s9 =	sadd.s32 s5, s8  }
0x50: {  	[tilespmem:s28], [sflag:$0x2] =	stream.linear.gather [hbm4b:s9+s0], $0xC80, $0x38;
	[tilespmem:$0x18800] =	vst v63  }
0x51: {  	_ =	swait.ge [sflag:s26], $0xC80  }
0x52: {  	[sflag:s26] =	ssyncset.done $0x0  }
0x53: {  	s8 =	sadd.s32 s6, s8;
	[sflag:s26] =	ssyncadd.s32 $0xFFFFF380  }
0x54: {  	[tilespmem:s29], [sflag:$0x2] =	stream.linear.gather [hbm4b:s8+s0], $0xC80, $0x38;
	[tilespmem:$0x18800] =	vst v63  }
0x55: {  	_ =	swait.ge [sflag:s26], $0xC80  }
0x56: {  	[sflag:s26] =	ssyncset.done $0x0  }
0x57: {  	s19 =	simm.s32 $0x14000;
	[sflag:s26] =	ssyncadd.s32 $0xFFFFF380  }
0x58: {  	[tilespmem:s25], [sflag:$0x1] =	stream.indirect.gather [hbm4b:s4+s30], $0x80, s19, s30, $0xb8;
	[tilespmem:$0x18800] =	vst v63  }
0x59: {  	_ =	swait.ge [sflag:s31], $0x2800  }
0x5a: {  	[sflag:s31] =	ssyncset.done $0x0  }
0x5b: {  	s20 =	simm.s32 $0x15000;
	[sflag:s31] =	ssyncadd.s32 $0xFFFFD800  }
0x5c: {  	[spmem:s1] =	stream.indirect.scatter.add.f32 [tilespmem:s25], [sflag:$0x2], $0x80, s20, s30, $0xb8;
	[tilespmem:$0x18800] =	vst v63  }
0x5d: {  	_ =	swait.ge [sflag:s26], $0x2800  }
0x5e: {  	s9 =	simm.s32 $0x400;
	s8 =	simm.s32 $0x80;
	[sflag:s26] =	ssyncset.done $0x0  }
.LBB2_5:
0x5f: {  	s18 =	sadd.s32 $0x14000, s8  }
0x60: {  	[sflag:s26] =	ssyncadd.s32 $0xFFFFD800;
	s19 =	smov.u32 s9;
	s20 =	sadd.s32 $0x200, s9  }
0x61: {  	[tilespmem:s25], [sflag:$0x1] =	stream.indirect.gather [hbm4b:s4+s30], $0x80, s18, s30, $0xb8;
	[tilespmem:$0x18800] =	vst v63  }
0x62: {  	p0 =	sne.s32 s9, $0x3000;
	_ =	swait.ge [sflag:s31], $0x2800  }
.Ltmp1:
0x63: {  	[sflag:s31] =	ssyncset.done $0x0;
	(pc) =	sbr.rel @p0 .LBB2_5-.Ltmp1, $4  }
0x64: {  	s8 =	sadd.s32 $0x15000, s8;
	[sflag:s31] =	ssyncadd.s32 $0xFFFFD800  }
0x65: {  	[spmem:s1] =	stream.indirect.scatter.add.f32 [tilespmem:s25], [sflag:$0x2], $0x80, s8, s30, $0xb8;
	[tilespmem:$0x18800] =	vst v63  }
0x66: {  	_ =	swait.ge [sflag:s26], $0x2800  }
0x67: {  	s9 =	smov.u32 s20;
	s8 =	sshra.s32 s19, $0x2;
	[sflag:s26] =	ssyncset.done $0x0  }
0x68: {  	s9 =	sadd.s32 $0x14000, s8;
	[sflag:s26] =	ssyncadd.s32 $0xFFFFD800  }
0x69: {  	[tilespmem:s25], [sflag:$0x1] =	stream.indirect.gather [hbm4b:s4+s30], $0x80, s9, s30, $0xb8;
	[tilespmem:$0x18800] =	vst v63  }
0x6a: {  	s3 =	sadd.s32 $0x1, s3;
	_ =	swait.ge [sflag:s31], $0x2800  }
0x6b: {  	p0 =	sne.s32 s3, $0x5;
	[sflag:s31] =	ssyncset.done $0x0  }
.Ltmp2:
0x6c: {  	s20 =	sadd.s32 $0x15000, s8;
	[sflag:s31] =	ssyncadd.s32 $0xFFFFD800;
	(pc) =	sbr.rel @p0 .LBB2_4-.Ltmp2, $4  }
0x6d: {  	[spmem:s1] =	stream.indirect.scatter.add.f32 [tilespmem:s25], [sflag:$0x2], $0x80, s20, s30, $0xb8;
	[tilespmem:$0x18800] =	vst v63  }
0x6e: {  	_ =	swait.ge [sflag:s26], $0x2800  }
0x6f: {  	[sflag:s26] =	ssyncset.done $0x0  }
0x70: {  	[sflag:s26] =	ssyncadd.s32 $0xFFFFD800  }
0x71: {  	s0 =	stileid.u32  }
0x72: {  	[bflag:$0x0] =	sbarrier.arrive $0xFFFF;
	s0 =	sshll.u32 s0, $0x6  }
0x73: {  	s3 =	sshrl.u32 s10, $0x3;
	s8 =	rddreg [dreg:$0x3];
	s0 =	sor.u32 $0x1C02, s0  }
0x74: {  	[hbm:s8], [sflag:s0] =	dma.local [spmem:s3], $0x500  }
0x75: {  	_ =	swait.ge [sflag:s26], $0x500  }
0x76: {  	[sflag:s26] =	ssyncset.done $0x0  }
0x77: {  	s19 =	sshrl.u32 s11, $0x3;
	s20 =	rddreg [dreg:$0x5];
	[sflag:s26] =	ssyncadd.s32 $0xFFFFFB00  }
0x78: {  	[hbm:s20], [sflag:s0] =	dma.local [spmem:s19], $0x500  }
0x79: {  	_ =	swait.ge [sflag:s26], $0x500  }
0x7a: {  	[sflag:s26] =	ssyncset.done $0x0  }
0x7b: {  	s9 =	sshrl.u32 s12, $0x3;
	s18 =	rddreg [dreg:$0x6];
	[sflag:s26] =	ssyncadd.s32 $0xFFFFFB00  }
0x7c: {  	[hbm:s18], [sflag:s0] =	dma.local [spmem:s9], $0x500  }
0x7d: {  	_ =	swait.ge [sflag:s26], $0x500  }
0x7e: {  	[sflag:s26] =	ssyncset.done $0x0  }
0x7f: {  	s19 =	sshrl.u32 s13, $0x3;
	s20 =	rddreg [dreg:$0x7];
	[sflag:s26] =	ssyncadd.s32 $0xFFFFFB00  }
0x80: {  	[hbm:s20], [sflag:s0] =	dma.local [spmem:s19], $0x500  }
0x81: {  	_ =	swait.ge [sflag:s26], $0x500  }
0x82: {  	[sflag:s26] =	ssyncset.done $0x0  }
0x83: {  	s8 =	sshrl.u32 s14, $0x3;
	[sflag:s26] =	ssyncadd.s32 $0xFFFFFB00  }
0x84: {  	[hbm:s21], [sflag:s0] =	dma.local [spmem:s8], $0x500  }
0x85: {  	_ =	swait.ge [sflag:s26], $0x500  }
0x86: {  	[sflag:s26] =	ssyncset.done $0x0  }
0x87: {  	s9 =	sshrl.u32 s15, $0x3;
	[sflag:s26] =	ssyncadd.s32 $0xFFFFFB00  }
0x88: {  	[hbm:s22], [sflag:s0] =	dma.local [spmem:s9], $0x500  }
0x89: {  	_ =	swait.ge [sflag:s26], $0x500  }
0x8a: {  	[sflag:s26] =	ssyncset.done $0x0  }
0x8b: {  	s18 =	sshrl.u32 s16, $0x3;
	[sflag:s26] =	ssyncadd.s32 $0xFFFFFB00  }
0x8c: {  	[hbm:s23], [sflag:s0] =	dma.local [spmem:s18], $0x500  }
0x8d: {  	_ =	swait.ge [sflag:s26], $0x500  }
0x8e: {  	[sflag:s26] =	ssyncset.done $0x0  }
0x8f: {  	s19 =	sshrl.u32 s17, $0x3;
	[sflag:s26] =	ssyncadd.s32 $0xFFFFFB00  }
0x90: {  	[hbm:s24], [sflag:s0] =	dma.local [spmem:s19], $0x500  }
0x91: {  	_ =	swait.ge [sflag:s26], $0x500  }
0x92: {  	s2 =	sadd.s32 $0x1, s2;
	s20 =	rddreg [dreg:$0x4]  }
0x93: {  	p0 =	sne.s32 s2, s20  }
.Ltmp3:
0x94: {  	_ = 	snop;
	(pc) =	sbr.rel @p0 .LBB2_1-.Ltmp3, $3  }
0x95: {  	_ =	sdelay $0x1  }
0x96: {  	[sflag:s26] =	ssyncset.done $0x0  }
0x97: {  	[sflag:s26] =	ssyncadd.s32 $0xFFFFFB00  }
0x98: {  	_ =	sfence.sel $0x180000  }
0x99: {  	[bflag:$0x0] =	sbarrier.arrive $0xFFFF  }
0x9a: {  	_ =	strace $0x9000004A  }
0x9b: {  	s0 =	stileid.u32;
	[bflag:$0x2] =	sbarrier.arrive $0xFFFF  }
0x9c: {  	p0 =	sne.s32 s0, $0x0;
	s0 =	rddreg [dreg:$0x2]  }
0x9d: {  	s0 =	sadd.s32 @!p0 $0x100000, s0  }
0x9e: {  	[sflag:s0] =	ssyncadd.tile.s32 @!p0 $0x1;
	_ =	shalt  }
.Lfunc_end2:
_tile_overlayer_lowered:
.L_overlay_start_2:
0x9f: {  	(tag) =	ssettag $0x2  }
0xa0: {  	s0 =	rddreg [dreg:$0x0];
	s2 =	stileid.u32  }
0xa1: {  	s1 =	rddreg [dreg:$0x1];
	p0 =	sne.s32 s2, $0x0  }
0xa2: {  	s3 =	rddreg [dreg:$0x2];
	[bflag:$0x3] =	sbarrier.arrive $0xFFFF;
	s2 =	simm.s32 @!p0 $0x1C02  }
0xa3: {  	[timem:s3], [sflag:s2] =	dma.local @!p0 [hbm:s0], s1  }
0xa4: {  	s0 =	simm.s32 @!p0 $0x2  }
0xa5: {  	_ =	swait.ge @!p0 [sflag:s0], s1  }
0xa6: {  	s1 =	ssub.s32 @!p0 $0x0, s1;
	[sflag:s0] =	ssyncset.done @!p0 $0x0  }
0xa7: {  	[sflag:s0] =	ssyncadd.s32 @!p0 s1  }
0xa8: {  	[bflag:$0x3] =	sbarrier.arrive $0xFFFF  }
0xa9: {  	_ =	shalt  }

</sc_bundles>
